<compile_context>
chip_gen: v7x
topology: tpu7x:2x2x1
jax: 0.10.2.dev20260603
libtpu: 0.0.44.dev20260713+nightly
codegen_flags: <defaults>
</compile_context>

<pallas_src>
import functools

import jax
import jax.numpy as jnp
from jax import lax
from jax.experimental import pallas as pl
from jax.experimental.pallas import tpu as pltpu
from jax.experimental.pallas import tpu_sc as plsc

NW = 32
NT = 16
CHUNK = 128
KD = 5
KA = 2


def _sc_mesh():
    return plsc.VectorSubcoreMesh(core_axis_name="c", subcore_axis_name="s")


def _make_deg_kernel(N_PAD, stripe, chunks):
    batches = chunks // KD

    @functools.partial(
        pl.kernel,
        out_type=jax.ShapeDtypeStruct((2 * N_PAD,), jnp.float32),
        mesh=_sc_mesh(),
        scratch_types=[
            pltpu.VMEM((chunks, CHUNK), jnp.int32),
            pltpu.VMEM((CHUNK,), jnp.float32),
            pltpu.VMEM((stripe,), jnp.float32),
            [pltpu.SemaphoreType.DMA] * KD,
            pltpu.VMEM_SHARED((N_PAD,), jnp.float32),
        ],
    )
    def deg_kernel(eidx_hbm, out_hbm, idx2d, onesv, stagev, sems, acc_sh):
        c = lax.axis_index("c")
        s = lax.axis_index("s")
        wid = s * 2 + c
        pltpu.sync_copy(eidx_hbm.at[wid], idx2d)
        for i in range(CHUNK // 16):
            onesv[pl.ds(i * 16, 16)] = jnp.ones((16,), jnp.float32)

        def zfill(j, carry):
            stagev[pl.ds(j * 16, 16)] = jnp.zeros((16,), jnp.float32)
            return carry

        lax.fori_loop(0, stripe // 16, zfill, 0)
        pltpu.sync_copy(stagev, acc_sh.at[pl.ds(s * stripe, stripe)])
        plsc.subcore_barrier()

        def body(b, carry):
            cps = []
            for i in range(KD):
                cps.append(pltpu.async_copy(
                    onesv, acc_sh.at[idx2d.at[b * KD + i]], sems[i], add=True))
            for cp in cps:
                cp.wait()
            return carry

        lax.fori_loop(0, batches, body, 0)
        plsc.subcore_barrier()
        pltpu.sync_copy(acc_sh.at[pl.ds(s * stripe, stripe)], stagev)
        pltpu.sync_copy(stagev,
                        out_hbm.at[pl.ds(c * N_PAD + s * stripe, stripe)])

    return deg_kernel


def _make_agg_kernel(N_PAD, D, stripe, n0, n1, npass):
    batches = npass // KA

    @functools.partial(
        pl.kernel,
        out_type=jax.ShapeDtypeStruct((2, N_PAD, D), jnp.float32),
        mesh=_sc_mesh(),
        scratch_types=[
            pltpu.VMEM((npass, CHUNK), jnp.int32),
            pltpu.VMEM((npass, CHUNK), jnp.int32),
            [pltpu.VMEM((CHUNK, D), jnp.float32)] * KA,
            [pltpu.SemaphoreType.DMA] * KA,
            [pltpu.SemaphoreType.DMA] * KA,
            pltpu.VMEM_SHARED((N_PAD, D), jnp.float32),
        ],
    )
    def agg_kernel(eidx_hbm, col_hbm, y_hbm, out_hbm,
                   idx2d, col2d, bufs, gsems, ssems, acc_sh):
        c = lax.axis_index("c")
        s = lax.axis_index("s")

        def zrow(i, carry):
            for k in range(D // 16):
                bufs[0][i, pl.ds(k * 16, 16)] = jnp.zeros((16,), jnp.float32)
            return carry

        lax.fori_loop(0, CHUNK, zrow, 0)

        def zcp(t, carry):
            pltpu.sync_copy(bufs[0],
                            acc_sh.at[pl.ds(s * stripe + t * CHUNK, CHUNK), :])
            return carry

        lax.fori_loop(0, stripe // CHUNK, zcp, 0)
        plsc.subcore_barrier()

        def run_range(row0):
            pltpu.sync_copy(eidx_hbm.at[pl.ds(row0, npass), :], idx2d)
            pltpu.sync_copy(col_hbm.at[pl.ds(row0, npass), :], col2d)

            def body(b, carry):
                scps = []
                for i in range(KA):
                    cidx = b * KA + i
                    pltpu.async_copy(
                        y_hbm.at[col2d.at[cidx]], bufs[i], gsems[i]).wait()
                    scps.append(pltpu.async_copy(
                        bufs[i], acc_sh.at[idx2d.at[cidx]], ssems[i],
                        add=True))
                for cp in scps:
                    cp.wait()
                return carry

            lax.fori_loop(0, batches, body, 0)

        @pl.when(c == 0)
        def _():
            for hp in range(n0 // npass):
                run_range(s * n0 + hp * npass)

        @pl.when(c == 1)
        def _():
            for hp in range(n1 // npass):
                run_range(16 * n0 + s * n1 + hp * npass)

        plsc.subcore_barrier()

        def ocp(t, carry):
            base2 = s * stripe + t * CHUNK
            pltpu.sync_copy(acc_sh.at[pl.ds(base2, CHUNK), :], bufs[0])
            pltpu.sync_copy(bufs[0], out_hbm.at[c, pl.ds(base2, CHUNK), :])
            return carry

        lax.fori_loop(0, stripe // CHUNK, ocp, 0)

    return agg_kernel


def _make_eidx_body(n, n_dummy):
    def eidx_body(row_ref, col_ref, eg_ref):
        r = row_ref[...]
        eg_ref[...] = jnp.where(r == col_ref[...], n + lax.rem(r, n_dummy), r)
    return eidx_body


def _y_body(x_ref, degp_ref, y_ref):
    d = degp_ref[:, 0] + degp_ref[:, 1] + 1.0
    dis = lax.rsqrt(d)
    y_ref[...] = x_ref[...] * dis[:, None]


def _m_body(accp_ref, y_ref, degp_ref, w_ref, b_ref, h_ref, stats_ref):
    i = pl.program_id(0)
    d = degp_ref[:, 0] + degp_ref[:, 1] + 1.0
    dis = lax.rsqrt(d)
    pre = (accp_ref[0] + accp_ref[1] + y_ref[...]) * dis[:, None]
    h = lax.dot_general(pre, w_ref[...], (((1,), (1,)), ((), ())),
                        preferred_element_type=jnp.float32)
    h = jnp.maximum(h + b_ref[...], 0.0)
    h_ref[...] = h

    @pl.when(i == 0)
    def _():
        stats_ref[...] = jnp.zeros_like(stats_ref)

    stats_ref[0:1, :] += jnp.sum(h, axis=0, keepdims=True)
    stats_ref[1:2, :] += jnp.sum(h * h, axis=0, keepdims=True)


def _make_bn_body(N):
    def bn_body(h_ref, stats_ref, gamma_ref, beta_ref, out_ref):
        inv_n = 1.0 / N
        mean = stats_ref[0:1, :] * inv_n
        ex2 = stats_ref[1:2, :] * inv_n
        var = ex2 - mean * mean
        inv = lax.rsqrt(var + 1e-5)
        out_ref[...] = (h_ref[...] - mean) * inv * gamma_ref[...] + beta_ref[...]
    return bn_body


def kernel(x, edge_index, W, b, gamma, beta):
    N, D = x.shape
    E = edge_index.shape[1]
    N_PAD = ((N + 8) + 255) // 256 * 256
    stripe = N_PAD // 16
    DUMMY_G = N_PAD - 8
    align = NW * CHUNK * 2 * KA
    E_PAD = (E + align - 1) // align * align

    row = edge_index[0]
    col = edge_index[1]

    n_dummy = N_PAD - N - 8
    eidx_g = pl.pallas_call(
        _make_eidx_body(N, n_dummy),
        in_specs=[pl.BlockSpec((E // CHUNK, CHUNK), lambda: (0, 0))] * 2,
        out_specs=pl.BlockSpec((E // CHUNK, CHUNK), lambda: (0, 0)),
        out_shape=jax.ShapeDtypeStruct((E // CHUNK, CHUNK), jnp.int32),
    )(row.reshape(E // CHUNK, CHUNK), col.reshape(E // CHUNK, CHUNK))

    npad = E_PAD - E
    eidx_g = jnp.concatenate(
        [eidx_g.reshape(E),
         N + jnp.arange(npad, dtype=jnp.int32) % n_dummy])
    col_p = jnp.concatenate([col, jnp.zeros((npad,), jnp.int32)])

    chunks = E_PAD // (NW * CHUNK)

    deg_p = _make_deg_kernel(N_PAD, stripe, chunks)(
        eidx_g.reshape(NW, chunks, CHUNK))
    degp_t = deg_p.reshape(2, N_PAD).T

    BN = 1000
    grid = (N // BN,)
    y = pl.pallas_call(
        _y_body,
        grid=grid,
        in_specs=[
            pl.BlockSpec((BN, D), lambda i: (i, 0)),
            pl.BlockSpec((BN, 2), lambda i: (i, 0)),
        ],
        out_specs=pl.BlockSpec((BN, D), lambda i: (i, 0)),
        out_shape=jax.ShapeDtypeStruct((N, D), jnp.float32),
    )(x, degp_t)

    rows_total = E_PAD // CHUNK
    n0 = rows_total * 3 // (4 * NT)
    n1 = rows_total // NT - n0
    acc_p = _make_agg_kernel(N_PAD, D, stripe, n0, n1, n1)(
        eidx_g.reshape(rows_total, CHUNK),
        col_p.reshape(rows_total, CHUNK), y)

    b2 = b.reshape(1, D)
    h, stats = pl.pallas_call(
        _m_body,
        grid=grid,
        in_specs=[
            pl.BlockSpec((2, BN, D), lambda i: (0, i, 0)),
            pl.BlockSpec((BN, D), lambda i: (i, 0)),
            pl.BlockSpec((BN, 2), lambda i: (i, 0)),
            pl.BlockSpec((D, D), lambda i: (0, 0)),
            pl.BlockSpec((1, D), lambda i: (0, 0)),
        ],
        out_specs=[
            pl.BlockSpec((BN, D), lambda i: (i, 0)),
            pl.BlockSpec((8, D), lambda i: (0, 0)),
        ],
        out_shape=[
            jax.ShapeDtypeStruct((N, D), jnp.float32),
            jax.ShapeDtypeStruct((8, D), jnp.float32),
        ],
    )(acc_p, y, degp_t, W, b2)

    out = pl.pallas_call(
        _make_bn_body(N),
        grid=grid,
        in_specs=[
            pl.BlockSpec((BN, D), lambda i: (i, 0)),
            pl.BlockSpec((8, D), lambda i: (0, 0)),
            pl.BlockSpec((1, D), lambda i: (0, 0)),
            pl.BlockSpec((1, D), lambda i: (0, 0)),
        ],
        out_specs=pl.BlockSpec((BN, D), lambda i: (i, 0)),
        out_shape=jax.ShapeDtypeStruct((N, D), jnp.float32),
    )(h, stats, gamma.reshape(1, D), beta.reshape(1, D))
    return out

# --- scband reference (transcript-rebuilt; emitter-appended) ---
"""Pipeline reference for scband-gcnlayer-10153302687994 (READ-ONLY COPY).

The authoritative reference and input builder live on the scoring server;
editing this copy changes nothing except your own understanding.
"""

import jax, jax.numpy as jnp
import numpy as np
import math

N = 10000
E = 320000
D = 128

def setup_inputs(seed: int = 0) -> dict:
    key = jax.random.key(seed)
    k1, k2, k3 = jax.random.split(key, 3)
    x = jax.random.normal(k1, (N, D), dtype=jnp.float32)
    edge_index = jax.random.randint(k2, (2, E), 0, N, dtype=jnp.int32)
    stdv = math.sqrt(6.0 / (D + D))
    W = jax.random.uniform(k3, (D, D), dtype=jnp.float32, minval=-stdv, maxval=stdv)
    b = jnp.zeros((D,), dtype=jnp.float32)
    gamma = jnp.ones((D,), dtype=jnp.float32)
    beta = jnp.zeros((D,), dtype=jnp.float32)
    return {"x": x, "edge_index": edge_index, "W": W, "b": b, "gamma": gamma, "beta": beta}

def reference(x, edge_index, W, b, gamma, beta):
    row, col = edge_index[0], edge_index[1]
    # add_remaining_self_loops: drop existing self loops, append full self-loop set
    mask = row != col
    loop = jnp.arange(N, dtype=row.dtype)
    w = jnp.concatenate([mask.astype(x.dtype), jnp.ones((N,), dtype=x.dtype)])
    row = jnp.concatenate([row, loop])
    col = jnp.concatenate([col, loop])
    # degree of row
    deg = jnp.zeros((N,), dtype=x.dtype).at[row].add(w)
    deg_inv_sqrt = deg ** -0.5
    norm = deg_inv_sqrt[row] * deg_inv_sqrt[col] * w
    x_j = x[col] * norm[:, None]
    out = jax.ops.segment_sum(x_j, row, num_segments=N)
    h = out @ W.T + b
    h = jax.nn.relu(h)
    # BatchNorm1d (training mode: batch statistics, biased var)
    mean = jnp.mean(h, axis=0)
    var = jnp.var(h, axis=0)
    return (h - mean) / jnp.sqrt(var + 1e-5) * gamma + beta

if __name__ == "__main__":
    import jax
    _d = setup_inputs()
    print(jax.jit(kernel)(*tuple(_d.values())))

</pallas_src>

<mosaic_0001>
#map = affine_map<(d0, d1) -> (0, 0, 0)>
#map1 = affine_map<(d0, d1) -> (0)>
module attributes {stable_mosaic.version = 14 : i64} {
  func.func @deg_kernel(%arg0: i32, %arg1: i32, %arg2: memref<32x80x128xi32, #tpu.memory_space<hbm>>, %arg3: memref<20480xf32, #tpu.memory_space<hbm>>, %arg4: memref<80x128xi32, #tpu.memory_space<vmem>>, %arg5: memref<128xf32, #tpu.memory_space<vmem>>, %arg6: memref<640xf32, #tpu.memory_space<vmem>>, %arg7: memref<!tpu.dma_semaphore, #tpu.memory_space<semaphore_mem>>, %arg8: memref<!tpu.dma_semaphore, #tpu.memory_space<semaphore_mem>>, %arg9: memref<!tpu.dma_semaphore, #tpu.memory_space<semaphore_mem>>, %arg10: memref<!tpu.dma_semaphore, #tpu.memory_space<semaphore_mem>>, %arg11: memref<!tpu.dma_semaphore, #tpu.memory_space<semaphore_mem>>, %arg12: memref<10240xf32, #tpu.memory_space<vmem_shared>>) attributes {dimension_semantics = [#tpu.dimension_semantics<core_parallel>, #tpu.dimension_semantics<subcore_parallel>], iteration_bounds = array<i64: 2, 16>, scalar_prefetch = 0 : i64, scratch_operands = 9 : i64, tpu.core_type = #tpu.core_type<sc_vector_subcore>, window_params = [{transform_indices = #map}, {transform_indices = #map1}]} {
    %mul3A = arith.constant 2 : i32
    %mul3A_0 = arith.muli %arg1, %mul3A : i32
    %add3A = arith.addi %mul3A_0, %arg0 : i32
    "tpu.region"() ({
      %run_scoped3A = tpu.sem_alloc : memref<!tpu.dma_semaphore, #tpu.memory_space<semaphore_mem>>
      %dma_start3A = arith.constant 0 : i32
      %dma_start3A_68 = arith.constant 0 : i32
      %dma_start3A_69 = tpu.memref_slice %arg2[%add3A, %dma_start3A, %dma_start3A_68] : memref<32x80x128xi32, #tpu.memory_space<hbm>> -> memref<1x80x128xi32, #tpu.memory_space<hbm>>
      %dma_start3A_70 = tpu.memref_squeeze %dma_start3A_69 : memref<1x80x128xi32, #tpu.memory_space<hbm>> -> memref<80x128xi32, #tpu.memory_space<hbm>>
      %dma_start3A_71 = arith.constant 0 : i32
      %dma_start3A_72 = arith.constant 0 : i32
      %dma_start3A_73 = tpu.memref_slice %arg2[%add3A, %dma_start3A_71, %dma_start3A_72] : memref<32x80x128xi32, #tpu.memory_space<hbm>> -> memref<1x80x128xi32, #tpu.memory_space<hbm>>
      %dma_start3A_74 = tpu.memref_squeeze %dma_start3A_73 : memref<1x80x128xi32, #tpu.memory_space<hbm>> -> memref<80x128xi32, #tpu.memory_space<hbm>>
      tpu.enqueue_dma source(%dma_start3A_74 : memref<80x128xi32, #tpu.memory_space<hbm>>) target(%arg4 : memref<80x128xi32, #tpu.memory_space<vmem>>) target_semaphore(%run_scoped3A : memref<!tpu.dma_semaphore, #tpu.memory_space<semaphore_mem>>)
      %dma_wait3A = arith.constant 0 : i32
      %dma_wait3A_75 = arith.constant 0 : i32
      %dma_wait3A_76 = tpu.memref_slice %arg2[%add3A, %dma_wait3A, %dma_wait3A_75] : memref<32x80x128xi32, #tpu.memory_space<hbm>> -> memref<1x80x128xi32, #tpu.memory_space<hbm>>
      %dma_wait3A_77 = tpu.memref_squeeze %dma_wait3A_76 : memref<1x80x128xi32, #tpu.memory_space<hbm>> -> memref<80x128xi32, #tpu.memory_space<hbm>>
      %dma_wait3A_78 = arith.constant 0 : i32
      %dma_wait3A_79 = arith.constant 0 : i32
      %dma_wait3A_80 = tpu.memref_slice %arg2[%add3A, %dma_wait3A_78, %dma_wait3A_79] : memref<32x80x128xi32, #tpu.memory_space<hbm>> -> memref<1x80x128xi32, #tpu.memory_space<hbm>>
      %dma_wait3A_81 = tpu.memref_squeeze %dma_wait3A_80 : memref<1x80x128xi32, #tpu.memory_space<hbm>> -> memref<80x128xi32, #tpu.memory_space<hbm>>
      tpu.wait_dma2 semaphore(%run_scoped3A : memref<!tpu.dma_semaphore, #tpu.memory_space<semaphore_mem>>) src(%dma_wait3A_81 : memref<80x128xi32, #tpu.memory_space<hbm>>) dst(%arg4 : memref<80x128xi32, #tpu.memory_space<vmem>>)
      tpu.yield
    }) : () -> ()
    %broadcast_in_dim3A = arith.constant 1.000000e+00 : f32
    %broadcast_in_dim3A_1 = vector.broadcast %broadcast_in_dim3A : f32 to vector<16xf32>
    %swap3A = arith.constant 0 : index
    %swap3A_2 = tpu.vector_load %arg5[%swap3A] {strides = array<i32>} : memref<128xf32, #tpu.memory_space<vmem>>, vector<16xf32>,
    %swap3A_3 = vector.shape_cast %swap3A_2 : vector<16xf32> to vector<16xf32>
    %swap3A_4 = vector.shape_cast %broadcast_in_dim3A_1 : vector<16xf32> to vector<16xf32>
    tpu.vector_store %arg5[%swap3A], %swap3A_4 {strides = array<i32>} : memref<128xf32, #tpu.memory_space<vmem>>, vector<16xf32>,
    %broadcast_in_dim3A_5 = arith.constant 1.000000e+00 : f32
    %broadcast_in_dim3A_6 = vector.broadcast %broadcast_in_dim3A_5 : f32 to vector<16xf32>
    %swap3A_7 = arith.constant 16 : index
    %swap3A_8 = tpu.vector_load %arg5[%swap3A_7] {strides = array<i32>} : memref<128xf32, #tpu.memory_space<vmem>>, vector<16xf32>,
    %swap3A_9 = vector.shape_cast %swap3A_8 : vector<16xf32> to vector<16xf32>
    %swap3A_10 = vector.shape_cast %broadcast_in_dim3A_6 : vector<16xf32> to vector<16xf32>
    tpu.vector_store %arg5[%swap3A_7], %swap3A_10 {strides = array<i32>} : memref<128xf32, #tpu.memory_space<vmem>>, vector<16xf32>,
    %broadcast_in_dim3A_11 = arith.constant 1.000000e+00 : f32
    %broadcast_in_dim3A_12 = vector.broadcast %broadcast_in_dim3A_11 : f32 to vector<16xf32>
    %swap3A_13 = arith.constant 32 : index
    %swap3A_14 = tpu.vector_load %arg5[%swap3A_13] {strides = array<i32>} : memref<128xf32, #tpu.memory_space<vmem>>, vector<16xf32>,
    %swap3A_15 = vector.shape_cast %swap3A_14 : vector<16xf32> to vector<16xf32>
    %swap3A_16 = vector.shape_cast %broadcast_in_dim3A_12 : vector<16xf32> to vector<16xf32>
    tpu.vector_store %arg5[%swap3A_13], %swap3A_16 {strides = array<i32>} : memref<128xf32, #tpu.memory_space<vmem>>, vector<16xf32>,
    %broadcast_in_dim3A_17 = arith.constant 1.000000e+00 : f32
    %broadcast_in_dim3A_18 = vector.broadcast %broadcast_in_dim3A_17 : f32 to vector<16xf32>
    %swap3A_19 = arith.constant 48 : index
    %swap3A_20 = tpu.vector_load %arg5[%swap3A_19] {strides = array<i32>} : memref<128xf32, #tpu.memory_space<vmem>>, vector<16xf32>,
    %swap3A_21 = vector.shape_cast %swap3A_20 : vector<16xf32> to vector<16xf32>
    %swap3A_22 = vector.shape_cast %broadcast_in_dim3A_18 : vector<16xf32> to vector<16xf32>
    tpu.vector_store %arg5[%swap3A_19], %swap3A_22 {strides = array<i32>} : memref<128xf32, #tpu.memory_space<vmem>>, vector<16xf32>,
    %broadcast_in_dim3A_23 = arith.constant 1.000000e+00 : f32
    %broadcast_in_dim3A_24 = vector.broadcast %broadcast_in_dim3A_23 : f32 to vector<16xf32>
    %swap3A_25 = arith.constant 64 : index
    %swap3A_26 = tpu.vector_load %arg5[%swap3A_25] {strides = array<i32>} : memref<128xf32, #tpu.memory_space<vmem>>, vector<16xf32>,
    %swap3A_27 = vector.shape_cast %swap3A_26 : vector<16xf32> to vector<16xf32>
    %swap3A_28 = vector.shape_cast %broadcast_in_dim3A_24 : vector<16xf32> to vector<16xf32>
    tpu.vector_store %arg5[%swap3A_25], %swap3A_28 {strides = array<i32>} : memref<128xf32, #tpu.memory_space<vmem>>, vector<16xf32>,
    %broadcast_in_dim3A_29 = arith.constant 1.000000e+00 : f32
    %broadcast_in_dim3A_30 = vector.broadcast %broadcast_in_dim3A_29 : f32 to vector<16xf32>
    %swap3A_31 = arith.constant 80 : index
    %swap3A_32 = tpu.vector_load %arg5[%swap3A_31] {strides = array<i32>} : memref<128xf32, #tpu.memory_space<vmem>>, vector<16xf32>,
    %swap3A_33 = vector.shape_cast %swap3A_32 : vector<16xf32> to vector<16xf32>
    %swap3A_34 = vector.shape_cast %broadcast_in_dim3A_30 : vector<16xf32> to vector<16xf32>
    tpu.vector_store %arg5[%swap3A_31], %swap3A_34 {strides = array<i32>} : memref<128xf32, #tpu.memory_space<vmem>>, vector<16xf32>,
    %broadcast_in_dim3A_35 = arith.constant 1.000000e+00 : f32
    %broadcast_in_dim3A_36 = vector.broadcast %broadcast_in_dim3A_35 : f32 to vector<16xf32>
    %swap3A_37 = arith.constant 96 : index
    %swap3A_38 = tpu.vector_load %arg5[%swap3A_37] {strides = array<i32>} : memref<128xf32, #tpu.memory_space<vmem>>, vector<16xf32>,
    %swap3A_39 = vector.shape_cast %swap3A_38 : vector<16xf32> to vector<16xf32>
    %swap3A_40 = vector.shape_cast %broadcast_in_dim3A_36 : vector<16xf32> to vector<16xf32>
    tpu.vector_store %arg5[%swap3A_37], %swap3A_40 {strides = array<i32>} : memref<128xf32, #tpu.memory_space<vmem>>, vector<16xf32>,
    %broadcast_in_dim3A_41 = arith.constant 1.000000e+00 : f32
    %broadcast_in_dim3A_42 = vector.broadcast %broadcast_in_dim3A_41 : f32 to vector<16xf32>
    %swap3A_43 = arith.constant 112 : index
    %swap3A_44 = tpu.vector_load %arg5[%swap3A_43] {strides = array<i32>} : memref<128xf32, #tpu.memory_space<vmem>>, vector<16xf32>,
    %swap3A_45 = vector.shape_cast %swap3A_44 : vector<16xf32> to vector<16xf32>
    %swap3A_46 = vector.shape_cast %broadcast_in_dim3A_42 : vector<16xf32> to vector<16xf32>
    tpu.vector_store %arg5[%swap3A_43], %swap3A_46 {strides = array<i32>} : memref<128xf32, #tpu.memory_space<vmem>>, vector<16xf32>,
    %scan3A = arith.constant 0 : i32
    %scan3A_47 = arith.constant 0 : i32
    %scan3A_48 = arith.constant 40 : i32
    %scan3A_49 = arith.addi %scan3A_47, %scan3A_48 : i32
    %scan3A_50 = arith.constant 1 : i32
    scf.for %scan3A_68 = %scan3A_47 to %scan3A_49 step %scan3A_50  : i32 {
      %broadcast_in_dim3A_69 = arith.constant 0.000000e+00 : f32
      %broadcast_in_dim3A_70 = vector.broadcast %broadcast_in_dim3A_69 : f32 to vector<16xf32>
      %mul3A_71 = arith.constant 16 : i32
      %mul3A_72 = arith.muli %scan3A_68, %mul3A_71 : i32
      %swap3A_73 = arith.index_cast %mul3A_72 : i32 to index
      %swap3A_74 = tpu.vector_load %arg6[%swap3A_73] {strides = array<i32>} : memref<640xf32, #tpu.memory_space<vmem>>, vector<16xf32>,
      %swap3A_75 = vector.shape_cast %swap3A_74 : vector<16xf32> to vector<16xf32>
      %swap3A_76 = vector.shape_cast %broadcast_in_dim3A_70 : vector<16xf32> to vector<16xf32>
      tpu.vector_store %arg6[%swap3A_73], %swap3A_76 {strides = array<i32>} : memref<640xf32, #tpu.memory_space<vmem>>, vector<16xf32>,
    }
    %scan3A_51 = arith.constant 40 : i32
    %mul3A_52 = arith.constant 640 : i32
    %mul3A_53 = arith.muli %arg1, %mul3A_52 : i32
    "tpu.region"() ({
      %run_scoped3A = tpu.sem_alloc : memref<!tpu.dma_semaphore, #tpu.memory_space<semaphore_mem>>
      %dma_start3A = tpu.memref_slice %arg12[%mul3A_53] : memref<10240xf32, #tpu.memory_space<vmem_shared>> -> memref<640xf32, #tpu.memory_space<vmem_shared>>
      %dma_start3A_68 = tpu.memref_slice %arg12[%mul3A_53] : memref<10240xf32, #tpu.memory_space<vmem_shared>> -> memref<640xf32, #tpu.memory_space<vmem_shared>>
      tpu.enqueue_dma source(%arg6 : memref<640xf32, #tpu.memory_space<vmem>>) target(%dma_start3A_68 : memref<640xf32, #tpu.memory_space<vmem_shared>>) target_semaphore(%run_scoped3A : memref<!tpu.dma_semaphore, #tpu.memory_space<semaphore_mem>>)
      %dma_wait3A = tpu.memref_slice %arg12[%mul3A_53] : memref<10240xf32, #tpu.memory_space<vmem_shared>> -> memref<640xf32, #tpu.memory_space<vmem_shared>>
      %dma_wait3A_69 = tpu.memref_slice %arg12[%mul3A_53] : memref<10240xf32, #tpu.memory_space<vmem_shared>> -> memref<640xf32, #tpu.memory_space<vmem_shared>>
      tpu.wait_dma2 semaphore(%run_scoped3A : memref<!tpu.dma_semaphore, #tpu.memory_space<semaphore_mem>>) src(%arg6 : memref<640xf32, #tpu.memory_space<vmem>>) dst(%dma_wait3A_69 : memref<640xf32, #tpu.memory_space<vmem_shared>>)
      tpu.yield
    }) : () -> ()
    %barrier3A = arith.constant 0 : index
    tpu.barrier barrier_id(%barrier3A)
    %scan3A_54 = arith.constant 0 : i32
    %scan3A_55 = arith.constant 0 : i32
    %scan3A_56 = arith.constant 16 : i32
    %scan3A_57 = arith.addi %scan3A_55, %scan3A_56 : i32
    %scan3A_58 = arith.constant 1 : i32
    scf.for %scan3A_68 = %scan3A_55 to %scan3A_57 step %scan3A_58  : i32 {
      %mul3A_69 = arith.constant 5 : i32
      %mul3A_70 = arith.muli %scan3A_68, %mul3A_69 : i32
      %add3A_71 = arith.constant 0 : i32
      %add3A_72 = arith.addi %mul3A_70, %add3A_71 : i32
      %dma_start3A = arith.constant 0 : i32
      %dma_start3A_73 = tpu.memref_slice %arg4[%add3A_72, %dma_start3A] : memref<80x128xi32, #tpu.memory_space<vmem>> -> memref<1x128xi32, #tpu.memory_space<vmem>>
      %dma_start3A_74 = tpu.memref_squeeze %dma_start3A_73 : memref<1x128xi32, #tpu.memory_space<vmem>> -> memref<128xi32, #tpu.memory_space<vmem>>
      %dma_start3A_75 = arith.constant 0 : i32
      %dma_start3A_76 = tpu.memref_slice %arg12[%dma_start3A_75] : memref<10240xf32, #tpu.memory_space<vmem_shared>> -> memref<10240xf32, #tpu.memory_space<vmem_shared>>
      tpu.enqueue_indirect_dma source(%arg5 : memref<128xf32, #tpu.memory_space<vmem>>) target(%dma_start3A_76 : memref<10240xf32, #tpu.memory_space<vmem_shared>>) offsets(%dma_start3A_74 : memref<128xi32, #tpu.memory_space<vmem>>) semaphore(%arg7 : memref<!tpu.dma_semaphore, #tpu.memory_space<semaphore_mem>>) {add = true}
      %mul3A_77 = arith.constant 5 : i32
      %mul3A_78 = arith.muli %scan3A_68, %mul3A_77 : i32
      %add3A_79 = arith.constant 1 : i32
      %add3A_80 = arith.addi %mul3A_78, %add3A_79 : i32
      %dma_start3A_81 = arith.constant 0 : i32
      %dma_start3A_82 = tpu.memref_slice %arg4[%add3A_80, %dma_start3A_81] : memref<80x128xi32, #tpu.memory_space<vmem>> -> memref<1x128xi32, #tpu.memory_space<vmem>>
      %dma_start3A_83 = tpu.memref_squeeze %dma_start3A_82 : memref<1x128xi32, #tpu.memory_space<vmem>> -> memref<128xi32, #tpu.memory_space<vmem>>
      %dma_start3A_84 = arith.constant 0 : i32
      %dma_start3A_85 = tpu.memref_slice %arg12[%dma_start3A_84] : memref<10240xf32, #tpu.memory_space<vmem_shared>> -> memref<10240xf32, #tpu.memory_space<vmem_shared>>
      tpu.enqueue_indirect_dma source(%arg5 : memref<128xf32, #tpu.memory_space<vmem>>) target(%dma_start3A_85 : memref<10240xf32, #tpu.memory_space<vmem_shared>>) offsets(%dma_start3A_83 : memref<128xi32, #tpu.memory_space<vmem>>) semaphore(%arg8 : memref<!tpu.dma_semaphore, #tpu.memory_space<semaphore_mem>>) {add = true}
      %mul3A_86 = arith.constant 5 : i32
      %mul3A_87 = arith.muli %scan3A_68, %mul3A_86 : i32
      %add3A_88 = arith.constant 2 : i32
      %add3A_89 = arith.addi %mul3A_87, %add3A_88 : i32
      %dma_start3A_90 = arith.constant 0 : i32
      %dma_start3A_91 = tpu.memref_slice %arg4[%add3A_89, %dma_start3A_90] : memref<80x128xi32, #tpu.memory_space<vmem>> -> memref<1x128xi32, #tpu.memory_space<vmem>>
      %dma_start3A_92 = tpu.memref_squeeze %dma_start3A_91 : memref<1x128xi32, #tpu.memory_space<vmem>> -> memref<128xi32, #tpu.memory_space<vmem>>
      %dma_start3A_93 = arith.constant 0 : i32
      %dma_start3A_94 = tpu.memref_slice %arg12[%dma_start3A_93] : memref<10240xf32, #tpu.memory_space<vmem_shared>> -> memref<10240xf32, #tpu.memory_space<vmem_shared>>
      tpu.enqueue_indirect_dma source(%arg5 : memref<128xf32, #tpu.memory_space<vmem>>) target(%dma_start3A_94 : memref<10240xf32, #tpu.memory_space<vmem_shared>>) offsets(%dma_start3A_92 : memref<128xi32, #tpu.memory_space<vmem>>) semaphore(%arg9 : memref<!tpu.dma_semaphore, #tpu.memory_space<semaphore_mem>>) {add = true}
      %mul3A_95 = arith.constant 5 : i32
      %mul3A_96 = arith.muli %scan3A_68, %mul3A_95 : i32
      %add3A_97 = arith.constant 3 : i32
      %add3A_98 = arith.addi %mul3A_96, %add3A_97 : i32
      %dma_start3A_99 = arith.constant 0 : i32
      %dma_start3A_100 = tpu.memref_slice %arg4[%add3A_98, %dma_start3A_99] : memref<80x128xi32, #tpu.memory_space<vmem>> -> memref<1x128xi32, #tpu.memory_space<vmem>>
      %dma_start3A_101 = tpu.memref_squeeze %dma_start3A_100 : memref<1x128xi32, #tpu.memory_space<vmem>> -> memref<128xi32, #tpu.memory_space<vmem>>
      %dma_start3A_102 = arith.constant 0 : i32
      %dma_start3A_103 = tpu.memref_slice %arg12[%dma_start3A_102] : memref<10240xf32, #tpu.memory_space<vmem_shared>> -> memref<10240xf32, #tpu.memory_space<vmem_shared>>
      tpu.enqueue_indirect_dma source(%arg5 : memref<128xf32, #tpu.memory_space<vmem>>) target(%dma_start3A_103 : memref<10240xf32, #tpu.memory_space<vmem_shared>>) offsets(%dma_start3A_101 : memref<128xi32, #tpu.memory_space<vmem>>) semaphore(%arg10 : memref<!tpu.dma_semaphore, #tpu.memory_space<semaphore_mem>>) {add = true}
      %mul3A_104 = arith.constant 5 : i32
      %mul3A_105 = arith.muli %scan3A_68, %mul3A_104 : i32
      %add3A_106 = arith.constant 4 : i32
      %add3A_107 = arith.addi %mul3A_105, %add3A_106 : i32
      %dma_start3A_108 = arith.constant 0 : i32
      %dma_start3A_109 = tpu.memref_slice %arg4[%add3A_107, %dma_start3A_108] : memref<80x128xi32, #tpu.memory_space<vmem>> -> memref<1x128xi32, #tpu.memory_space<vmem>>
      %dma_start3A_110 = tpu.memref_squeeze %dma_start3A_109 : memref<1x128xi32, #tpu.memory_space<vmem>> -> memref<128xi32, #tpu.memory_space<vmem>>
      %dma_start3A_111 = arith.constant 0 : i32
      %dma_start3A_112 = tpu.memref_slice %arg12[%dma_start3A_111] : memref<10240xf32, #tpu.memory_space<vmem_shared>> -> memref<10240xf32, #tpu.memory_space<vmem_shared>>
      tpu.enqueue_indirect_dma source(%arg5 : memref<128xf32, #tpu.memory_space<vmem>>) target(%dma_start3A_112 : memref<10240xf32, #tpu.memory_space<vmem_shared>>) offsets(%dma_start3A_110 : memref<128xi32, #tpu.memory_space<vmem>>) semaphore(%arg11 : memref<!tpu.dma_semaphore, #tpu.memory_space<semaphore_mem>>) {add = true}
      %dma_wait3A = arith.constant 0 : i32
      %dma_wait3A_113 = tpu.memref_slice %arg4[%add3A_72, %dma_wait3A] : memref<80x128xi32, #tpu.memory_space<vmem>> -> memref<1x128xi32, #tpu.memory_space<vmem>>
      %dma_wait3A_114 = tpu.memref_squeeze %dma_wait3A_113 : memref<1x128xi32, #tpu.memory_space<vmem>> -> memref<128xi32, #tpu.memory_space<vmem>>
      %dma_wait3A_115 = arith.constant 0 : i32
      %dma_wait3A_116 = tpu.memref_slice %arg12[%dma_wait3A_115] : memref<10240xf32, #tpu.memory_space<vmem_shared>> -> memref<10240xf32, #tpu.memory_space<vmem_shared>>
      tpu.wait_indirect_dma semaphore(%arg7 : memref<!tpu.dma_semaphore, #tpu.memory_space<semaphore_mem>>) src(%arg5 : memref<128xf32, #tpu.memory_space<vmem>>) dst(%dma_wait3A_116 : memref<10240xf32, #tpu.memory_space<vmem_shared>>)
      %dma_wait3A_117 = arith.constant 0 : i32
      %dma_wait3A_118 = tpu.memref_slice %arg4[%add3A_80, %dma_wait3A_117] : memref<80x128xi32, #tpu.memory_space<vmem>> -> memref<1x128xi32, #tpu.memory_space<vmem>>
      %dma_wait3A_119 = tpu.memref_squeeze %dma_wait3A_118 : memref<1x128xi32, #tpu.memory_space<vmem>> -> memref<128xi32, #tpu.memory_space<vmem>>
      %dma_wait3A_120 = arith.constant 0 : i32
      %dma_wait3A_121 = tpu.memref_slice %arg12[%dma_wait3A_120] : memref<10240xf32, #tpu.memory_space<vmem_shared>> -> memref<10240xf32, #tpu.memory_space<vmem_shared>>
      tpu.wait_indirect_dma semaphore(%arg8 : memref<!tpu.dma_semaphore, #tpu.memory_space<semaphore_mem>>) src(%arg5 : memref<128xf32, #tpu.memory_space<vmem>>) dst(%dma_wait3A_121 : memref<10240xf32, #tpu.memory_space<vmem_shared>>)
      %dma_wait3A_122 = arith.constant 0 : i32
      %dma_wait3A_123 = tpu.memref_slice %arg4[%add3A_89, %dma_wait3A_122] : memref<80x128xi32, #tpu.memory_space<vmem>> -> memref<1x128xi32, #tpu.memory_space<vmem>>
      %dma_wait3A_124 = tpu.memref_squeeze %dma_wait3A_123 : memref<1x128xi32, #tpu.memory_space<vmem>> -> memref<128xi32, #tpu.memory_space<vmem>>
      %dma_wait3A_125 = arith.constant 0 : i32
      %dma_wait3A_126 = tpu.memref_slice %arg12[%dma_wait3A_125] : memref<10240xf32, #tpu.memory_space<vmem_shared>> -> memref<10240xf32, #tpu.memory_space<vmem_shared>>
      tpu.wait_indirect_dma semaphore(%arg9 : memref<!tpu.dma_semaphore, #tpu.memory_space<semaphore_mem>>) src(%arg5 : memref<128xf32, #tpu.memory_space<vmem>>) dst(%dma_wait3A_126 : memref<10240xf32, #tpu.memory_space<vmem_shared>>)
      %dma_wait3A_127 = arith.constant 0 : i32
      %dma_wait3A_128 = tpu.memref_slice %arg4[%add3A_98, %dma_wait3A_127] : memref<80x128xi32, #tpu.memory_space<vmem>> -> memref<1x128xi32, #tpu.memory_space<vmem>>
      %dma_wait3A_129 = tpu.memref_squeeze %dma_wait3A_128 : memref<1x128xi32, #tpu.memory_space<vmem>> -> memref<128xi32, #tpu.memory_space<vmem>>
      %dma_wait3A_130 = arith.constant 0 : i32
      %dma_wait3A_131 = tpu.memref_slice %arg12[%dma_wait3A_130] : memref<10240xf32, #tpu.memory_space<vmem_shared>> -> memref<10240xf32, #tpu.memory_space<vmem_shared>>
      tpu.wait_indirect_dma semaphore(%arg10 : memref<!tpu.dma_semaphore, #tpu.memory_space<semaphore_mem>>) src(%arg5 : memref<128xf32, #tpu.memory_space<vmem>>) dst(%dma_wait3A_131 : memref<10240xf32, #tpu.memory_space<vmem_shared>>)
      %dma_wait3A_132 = arith.constant 0 : i32
      %dma_wait3A_133 = tpu.memref_slice %arg4[%add3A_107, %dma_wait3A_132] : memref<80x128xi32, #tpu.memory_space<vmem>> -> memref<1x128xi32, #tpu.memory_space<vmem>>
      %dma_wait3A_134 = tpu.memref_squeeze %dma_wait3A_133 : memref<1x128xi32, #tpu.memory_space<vmem>> -> memref<128xi32, #tpu.memory_space<vmem>>
      %dma_wait3A_135 = arith.constant 0 : i32
      %dma_wait3A_136 = tpu.memref_slice %arg12[%dma_wait3A_135] : memref<10240xf32, #tpu.memory_space<vmem_shared>> -> memref<10240xf32, #tpu.memory_space<vmem_shared>>
      tpu.wait_indirect_dma semaphore(%arg11 : memref<!tpu.dma_semaphore, #tpu.memory_space<semaphore_mem>>) src(%arg5 : memref<128xf32, #tpu.memory_space<vmem>>) dst(%dma_wait3A_136 : memref<10240xf32, #tpu.memory_space<vmem_shared>>)
    }
    %scan3A_59 = arith.constant 16 : i32
    %barrier3A_60 = arith.constant 0 : index
    tpu.barrier barrier_id(%barrier3A_60)
    %mul3A_61 = arith.constant 640 : i32
    %mul3A_62 = arith.muli %arg1, %mul3A_61 : i32
    "tpu.region"() ({
      %run_scoped3A = tpu.sem_alloc : memref<!tpu.dma_semaphore, #tpu.memory_space<semaphore_mem>>
      %dma_start3A = tpu.memref_slice %arg12[%mul3A_62] : memref<10240xf32, #tpu.memory_space<vmem_shared>> -> memref<640xf32, #tpu.memory_space<vmem_shared>>
      %dma_start3A_68 = tpu.memref_slice %arg12[%mul3A_62] : memref<10240xf32, #tpu.memory_space<vmem_shared>> -> memref<640xf32, #tpu.memory_space<vmem_shared>>
      tpu.enqueue_dma source(%dma_start3A_68 : memref<640xf32, #tpu.memory_space<vmem_shared>>) target(%arg6 : memref<640xf32, #tpu.memory_space<vmem>>) target_semaphore(%run_scoped3A : memref<!tpu.dma_semaphore, #tpu.memory_space<semaphore_mem>>)
      %dma_wait3A = tpu.memref_slice %arg12[%mul3A_62] : memref<10240xf32, #tpu.memory_space<vmem_shared>> -> memref<640xf32, #tpu.memory_space<vmem_shared>>
      %dma_wait3A_69 = tpu.memref_slice %arg12[%mul3A_62] : memref<10240xf32, #tpu.memory_space<vmem_shared>> -> memref<640xf32, #tpu.memory_space<vmem_shared>>
      tpu.wait_dma2 semaphore(%run_scoped3A : memref<!tpu.dma_semaphore, #tpu.memory_space<semaphore_mem>>) src(%dma_wait3A_69 : memref<640xf32, #tpu.memory_space<vmem_shared>>) dst(%arg6 : memref<640xf32, #tpu.memory_space<vmem>>)
      tpu.yield
    }) : () -> ()
    %mul3A_63 = arith.constant 10240 : i32
    %mul3A_64 = arith.muli %arg0, %mul3A_63 : i32
    %mul3A_65 = arith.constant 640 : i32
    %mul3A_66 = arith.muli %arg1, %mul3A_65 : i32
    %add3A_67 = arith.addi %mul3A_64, %mul3A_66 : i32
    "tpu.region"() ({
      %run_scoped3A = tpu.sem_alloc : memref<!tpu.dma_semaphore, #tpu.memory_space<semaphore_mem>>
      %dma_start3A = tpu.memref_slice %arg3[%add3A_67] : memref<20480xf32, #tpu.memory_space<hbm>> -> memref<640xf32, #tpu.memory_space<hbm>>
      %dma_start3A_68 = tpu.memref_slice %arg3[%add3A_67] : memref<20480xf32, #tpu.memory_space<hbm>> -> memref<640xf32, #tpu.memory_space<hbm>>
      tpu.enqueue_dma source(%arg6 : memref<640xf32, #tpu.memory_space<vmem>>) target(%dma_start3A_68 : memref<640xf32, #tpu.memory_space<hbm>>) target_semaphore(%run_scoped3A : memref<!tpu.dma_semaphore, #tpu.memory_space<semaphore_mem>>)
      %dma_wait3A = tpu.memref_slice %arg3[%add3A_67] : memref<20480xf32, #tpu.memory_space<hbm>> -> memref<640xf32, #tpu.memory_space<hbm>>
      %dma_wait3A_69 = tpu.memref_slice %arg3[%add3A_67] : memref<20480xf32, #tpu.memory_space<hbm>> -> memref<640xf32, #tpu.memory_space<hbm>>
      tpu.wait_dma2 semaphore(%run_scoped3A : memref<!tpu.dma_semaphore, #tpu.memory_space<semaphore_mem>>) src(%arg6 : memref<640xf32, #tpu.memory_space<vmem>>) dst(%dma_wait3A_69 : memref<640xf32, #tpu.memory_space<hbm>>)
      tpu.yield
    }) : () -> ()
    return
  }
}

#map = affine_map<(d0, d1) -> (0, 0)>
#map1 = affine_map<(d0, d1) -> (0, 0, 0)>
module attributes {stable_mosaic.version = 14 : i64} {
  func.func @agg_kernel(%arg0: i32, %arg1: i32, %arg2: memref<2560x128xi32, #tpu.memory_space<hbm>>, %arg3: memref<2560x128xi32, #tpu.memory_space<hbm>>, %arg4: memref<10000x128xf32, #tpu.memory_space<hbm>>, %arg5: memref<2x10240x128xf32, #tpu.memory_space<hbm>>, %arg6: memref<40x128xi32, #tpu.memory_space<vmem>>, %arg7: memref<40x128xi32, #tpu.memory_space<vmem>>, %arg8: memref<128x128xf32, #tpu.memory_space<vmem>>, %arg9: memref<128x128xf32, #tpu.memory_space<vmem>>, %arg10: memref<!tpu.dma_semaphore, #tpu.memory_space<semaphore_mem>>, %arg11: memref<!tpu.dma_semaphore, #tpu.memory_space<semaphore_mem>>, %arg12: memref<!tpu.dma_semaphore, #tpu.memory_space<semaphore_mem>>, %arg13: memref<!tpu.dma_semaphore, #tpu.memory_space<semaphore_mem>>, %arg14: memref<10240x128xf32, #tpu.memory_space<vmem_shared>>) attributes {dimension_semantics = [#tpu.dimension_semantics<core_parallel>, #tpu.dimension_semantics<subcore_parallel>], iteration_bounds = array<i64: 2, 16>, scalar_prefetch = 0 : i64, scratch_operands = 9 : i64, tpu.core_type = #tpu.core_type<sc_vector_subcore>, window_params = [{transform_indices = #map}, {transform_indices = #map}, {transform_indices = #map}, {transform_indices = #map1}]} {
    %scan3A = arith.constant 0 : i32
    %scan3A_0 = arith.constant 0 : i32
    %scan3A_1 = arith.constant 128 : i32
    %scan3A_2 = arith.addi %scan3A_0, %scan3A_1 : i32
    %scan3A_3 = arith.constant 1 : i32
    scf.for %scan3A_25 = %scan3A_0 to %scan3A_2 step %scan3A_3  : i32 {
      %broadcast_in_dim3A = arith.constant 0.000000e+00 : f32
      %broadcast_in_dim3A_26 = vector.broadcast %broadcast_in_dim3A : f32 to vector<16xf32>
      %swap3A = arith.index_cast %scan3A_25 : i32 to index
      %swap3A_27 = arith.constant 0 : index
      %swap3A_28 = tpu.vector_load %arg8[%swap3A, %swap3A_27] {strides = array<i32>} : memref<128x128xf32, #tpu.memory_space<vmem>>, vector<1x16xf32>,
      %swap3A_29 = vector.shape_cast %swap3A_28 : vector<1x16xf32> to vector<16xf32>
      %swap3A_30 = vector.shape_cast %broadcast_in_dim3A_26 : vector<16xf32> to vector<1x16xf32>
      tpu.vector_store %arg8[%swap3A, %swap3A_27], %swap3A_30 {strides = array<i32>} : memref<128x128xf32, #tpu.memory_space<vmem>>, vector<1x16xf32>,
      %broadcast_in_dim3A_31 = arith.constant 0.000000e+00 : f32
      %broadcast_in_dim3A_32 = vector.broadcast %broadcast_in_dim3A_31 : f32 to vector<16xf32>
      %swap3A_33 = arith.index_cast %scan3A_25 : i32 to index
      %swap3A_34 = arith.constant 16 : index
      %swap3A_35 = tpu.vector_load %arg8[%swap3A_33, %swap3A_34] {strides = array<i32>} : memref<128x128xf32, #tpu.memory_space<vmem>>, vector<1x16xf32>,
      %swap3A_36 = vector.shape_cast %swap3A_35 : vector<1x16xf32> to vector<16xf32>
      %swap3A_37 = vector.shape_cast %broadcast_in_dim3A_32 : vector<16xf32> to vector<1x16xf32>
      tpu.vector_store %arg8[%swap3A_33, %swap3A_34], %swap3A_37 {strides = array<i32>} : memref<128x128xf32, #tpu.memory_space<vmem>>, vector<1x16xf32>,
      %broadcast_in_dim3A_38 = arith.constant 0.000000e+00 : f32
      %broadcast_in_dim3A_39 = vector.broadcast %broadcast_in_dim3A_38 : f32 to vector<16xf32>
      %swap3A_40 = arith.index_cast %scan3A_25 : i32 to index
      %swap3A_41 = arith.constant 32 : index
      %swap3A_42 = tpu.vector_load %arg8[%swap3A_40, %swap3A_41] {strides = array<i32>} : memref<128x128xf32, #tpu.memory_space<vmem>>, vector<1x16xf32>,
      %swap3A_43 = vector.shape_cast %swap3A_42 : vector<1x16xf32> to vector<16xf32>
      %swap3A_44 = vector.shape_cast %broadcast_in_dim3A_39 : vector<16xf32> to vector<1x16xf32>
      tpu.vector_store %arg8[%swap3A_40, %swap3A_41], %swap3A_44 {strides = array<i32>} : memref<128x128xf32, #tpu.memory_space<vmem>>, vector<1x16xf32>,
      %broadcast_in_dim3A_45 = arith.constant 0.000000e+00 : f32
      %broadcast_in_dim3A_46 = vector.broadcast %broadcast_in_dim3A_45 : f32 to vector<16xf32>
      %swap3A_47 = arith.index_cast %scan3A_25 : i32 to index
      %swap3A_48 = arith.constant 48 : index
      %swap3A_49 = tpu.vector_load %arg8[%swap3A_47, %swap3A_48] {strides = array<i32>} : memref<128x128xf32, #tpu.memory_space<vmem>>, vector<1x16xf32>,
      %swap3A_50 = vector.shape_cast %swap3A_49 : vector<1x16xf32> to vector<16xf32>
      %swap3A_51 = vector.shape_cast %broadcast_in_dim3A_46 : vector<16xf32> to vector<1x16xf32>
      tpu.vector_store %arg8[%swap3A_47, %swap3A_48], %swap3A_51 {strides = array<i32>} : memref<128x128xf32, #tpu.memory_space<vmem>>, vector<1x16xf32>,
      %broadcast_in_dim3A_52 = arith.constant 0.000000e+00 : f32
      %broadcast_in_dim3A_53 = vector.broadcast %broadcast_in_dim3A_52 : f32 to vector<16xf32>
      %swap3A_54 = arith.index_cast %scan3A_25 : i32 to index
      %swap3A_55 = arith.constant 64 : index
      %swap3A_56 = tpu.vector_load %arg8[%swap3A_54, %swap3A_55] {strides = array<i32>} : memref<128x128xf32, #tpu.memory_space<vmem>>, vector<1x16xf32>,
      %swap3A_57 = vector.shape_cast %swap3A_56 : vector<1x16xf32> to vector<16xf32>
      %swap3A_58 = vector.shape_cast %broadcast_in_dim3A_53 : vector<16xf32> to vector<1x16xf32>
      tpu.vector_store %arg8[%swap3A_54, %swap3A_55], %swap3A_58 {strides = array<i32>} : memref<128x128xf32, #tpu.memory_space<vmem>>, vector<1x16xf32>,
      %broadcast_in_dim3A_59 = arith.constant 0.000000e+00 : f32
      %broadcast_in_dim3A_60 = vector.broadcast %broadcast_in_dim3A_59 : f32 to vector<16xf32>
      %swap3A_61 = arith.index_cast %scan3A_25 : i32 to index
      %swap3A_62 = arith.constant 80 : index
      %swap3A_63 = tpu.vector_load %arg8[%swap3A_61, %swap3A_62] {strides = array<i32>} : memref<128x128xf32, #tpu.memory_space<vmem>>, vector<1x16xf32>,
      %swap3A_64 = vector.shape_cast %swap3A_63 : vector<1x16xf32> to vector<16xf32>
      %swap3A_65 = vector.shape_cast %broadcast_in_dim3A_60 : vector<16xf32> to vector<1x16xf32>
      tpu.vector_store %arg8[%swap3A_61, %swap3A_62], %swap3A_65 {strides = array<i32>} : memref<128x128xf32, #tpu.memory_space<vmem>>, vector<1x16xf32>,
      %broadcast_in_dim3A_66 = arith.constant 0.000000e+00 : f32
      %broadcast_in_dim3A_67 = vector.broadcast %broadcast_in_dim3A_66 : f32 to vector<16xf32>
      %swap3A_68 = arith.index_cast %scan3A_25 : i32 to index
      %swap3A_69 = arith.constant 96 : index
      %swap3A_70 = tpu.vector_load %arg8[%swap3A_68, %swap3A_69] {strides = array<i32>} : memref<128x128xf32, #tpu.memory_space<vmem>>, vector<1x16xf32>,
      %swap3A_71 = vector.shape_cast %swap3A_70 : vector<1x16xf32> to vector<16xf32>
      %swap3A_72 = vector.shape_cast %broadcast_in_dim3A_67 : vector<16xf32> to vector<1x16xf32>
      tpu.vector_store %arg8[%swap3A_68, %swap3A_69], %swap3A_72 {strides = array<i32>} : memref<128x128xf32, #tpu.memory_space<vmem>>, vector<1x16xf32>,
      %broadcast_in_dim3A_73 = arith.constant 0.000000e+00 : f32
      %broadcast_in_dim3A_74 = vector.broadcast %broadcast_in_dim3A_73 : f32 to vector<16xf32>
      %swap3A_75 = arith.index_cast %scan3A_25 : i32 to index
      %swap3A_76 = arith.constant 112 : index
      %swap3A_77 = tpu.vector_load %arg8[%swap3A_75, %swap3A_76] {strides = array<i32>} : memref<128x128xf32, #tpu.memory_space<vmem>>, vector<1x16xf32>,
      %swap3A_78 = vector.shape_cast %swap3A_77 : vector<1x16xf32> to vector<16xf32>
      %swap3A_79 = vector.shape_cast %broadcast_in_dim3A_74 : vector<16xf32> to vector<1x16xf32>
      tpu.vector_store %arg8[%swap3A_75, %swap3A_76], %swap3A_79 {strides = array<i32>} : memref<128x128xf32, #tpu.memory_space<vmem>>, vector<1x16xf32>,
    }
    %scan3A_4 = arith.constant 128 : i32
    %scan3A_5 = arith.constant 0 : i32
    %scan3A_6 = arith.constant 0 : i32
    %scan3A_7 = arith.constant 5 : i32
    %scan3A_8 = arith.addi %scan3A_6, %scan3A_7 : i32
    %scan3A_9 = arith.constant 1 : i32
    scf.for %scan3A_25 = %scan3A_6 to %scan3A_8 step %scan3A_9  : i32 {
      %mul3A = arith.constant 640 : i32
      %mul3A_26 = arith.muli %arg1, %mul3A : i32
      %mul3A_27 = arith.constant 128 : i32
      %mul3A_28 = arith.muli %scan3A_25, %mul3A_27 : i32
      %add3A = arith.addi %mul3A_26, %mul3A_28 : i32
      "tpu.region"() ({
        %run_scoped3A = tpu.sem_alloc : memref<!tpu.dma_semaphore, #tpu.memory_space<semaphore_mem>>
        %dma_start3A = arith.constant 0 : i32
        %dma_start3A_29 = tpu.memref_slice %arg14[%add3A, %dma_start3A] : memref<10240x128xf32, #tpu.memory_space<vmem_shared>> -> memref<128x128xf32, #tpu.memory_space<vmem_shared>>
        %dma_start3A_30 = arith.constant 0 : i32
        %dma_start3A_31 = tpu.memref_slice %arg14[%add3A, %dma_start3A_30] : memref<10240x128xf32, #tpu.memory_space<vmem_shared>> -> memref<128x128xf32, #tpu.memory_space<vmem_shared>>
        tpu.enqueue_dma source(%arg8 : memref<128x128xf32, #tpu.memory_space<vmem>>) target(%dma_start3A_31 : memref<128x128xf32, #tpu.memory_space<vmem_shared>>) target_semaphore(%run_scoped3A : memref<!tpu.dma_semaphore, #tpu.memory_space<semaphore_mem>>)
        %dma_wait3A = arith.constant 0 : i32
        %dma_wait3A_32 = tpu.memref_slice %arg14[%add3A, %dma_wait3A] : memref<10240x128xf32, #tpu.memory_space<vmem_shared>> -> memref<128x128xf32, #tpu.memory_space<vmem_shared>>
        %dma_wait3A_33 = arith.constant 0 : i32
        %dma_wait3A_34 = tpu.memref_slice %arg14[%add3A, %dma_wait3A_33] : memref<10240x128xf32, #tpu.memory_space<vmem_shared>> -> memref<128x128xf32, #tpu.memory_space<vmem_shared>>
        tpu.wait_dma2 semaphore(%run_scoped3A : memref<!tpu.dma_semaphore, #tpu.memory_space<semaphore_mem>>) src(%arg8 : memref<128x128xf32, #tpu.memory_space<vmem>>) dst(%dma_wait3A_34 : memref<128x128xf32, #tpu.memory_space<vmem_shared>>)
        tpu.yield
      }) : () -> ()
    }
    %scan3A_10 = arith.constant 5 : i32
    %barrier3A = arith.constant 0 : index
    tpu.barrier barrier_id(%barrier3A)
    %eq3A = arith.constant 0 : i32
    %eq3A_11 = arith.cmpi eq, %arg0, %eq3A : i32
    %convert_element_type3A = arith.extui %eq3A_11 : i1 to i32
    %cond3A = arith.constant 0 : i32
    %cond3A_12 = arith.cmpi ne, %convert_element_type3A, %cond3A : i32
    scf.if %cond3A_12 {
      %mul3A = arith.constant 120 : i32
      %mul3A_25 = arith.muli %arg1, %mul3A : i32
      %add3A = arith.constant 0 : i32
      %add3A_26 = arith.addi %mul3A_25, %add3A : i32
      "tpu.region"() ({
        %run_scoped3A = tpu.sem_alloc : memref<!tpu.dma_semaphore, #tpu.memory_space<semaphore_mem>>
        %dma_start3A = arith.constant 0 : i32
        %dma_start3A_53 = tpu.memref_slice %arg2[%add3A_26, %dma_start3A] : memref<2560x128xi32, #tpu.memory_space<hbm>> -> memref<40x128xi32, #tpu.memory_space<hbm>>
        %dma_start3A_54 = arith.constant 0 : i32
        %dma_start3A_55 = tpu.memref_slice %arg2[%add3A_26, %dma_start3A_54] : memref<2560x128xi32, #tpu.memory_space<hbm>> -> memref<40x128xi32, #tpu.memory_space<hbm>>
        tpu.enqueue_dma source(%dma_start3A_55 : memref<40x128xi32, #tpu.memory_space<hbm>>) target(%arg6 : memref<40x128xi32, #tpu.memory_space<vmem>>) target_semaphore(%run_scoped3A : memref<!tpu.dma_semaphore, #tpu.memory_space<semaphore_mem>>)
        %dma_wait3A = arith.constant 0 : i32
        %dma_wait3A_56 = tpu.memref_slice %arg2[%add3A_26, %dma_wait3A] : memref<2560x128xi32, #tpu.memory_space<hbm>> -> memref<40x128xi32, #tpu.memory_space<hbm>>
        %dma_wait3A_57 = arith.constant 0 : i32
        %dma_wait3A_58 = tpu.memref_slice %arg2[%add3A_26, %dma_wait3A_57] : memref<2560x128xi32, #tpu.memory_space<hbm>> -> memref<40x128xi32, #tpu.memory_space<hbm>>
        tpu.wait_dma2 semaphore(%run_scoped3A : memref<!tpu.dma_semaphore, #tpu.memory_space<semaphore_mem>>) src(%dma_wait3A_58 : memref<40x128xi32, #tpu.memory_space<hbm>>) dst(%arg6 : memref<40x128xi32, #tpu.memory_space<vmem>>)
        tpu.yield
      }) : () -> ()
      "tpu.region"() ({
        %run_scoped3A = tpu.sem_alloc : memref<!tpu.dma_semaphore, #tpu.memory_space<semaphore_mem>>
        %dma_start3A = arith.constant 0 : i32
        %dma_start3A_53 = tpu.memref_slice %arg3[%add3A_26, %dma_start3A] : memref<2560x128xi32, #tpu.memory_space<hbm>> -> memref<40x128xi32, #tpu.memory_space<hbm>>
        %dma_start3A_54 = arith.constant 0 : i32
        %dma_start3A_55 = tpu.memref_slice %arg3[%add3A_26, %dma_start3A_54] : memref<2560x128xi32, #tpu.memory_space<hbm>> -> memref<40x128xi32, #tpu.memory_space<hbm>>
        tpu.enqueue_dma source(%dma_start3A_55 : memref<40x128xi32, #tpu.memory_space<hbm>>) target(%arg7 : memref<40x128xi32, #tpu.memory_space<vmem>>) target_semaphore(%run_scoped3A : memref<!tpu.dma_semaphore, #tpu.memory_space<semaphore_mem>>)
        %dma_wait3A = arith.constant 0 : i32
        %dma_wait3A_56 = tpu.memref_slice %arg3[%add3A_26, %dma_wait3A] : memref<2560x128xi32, #tpu.memory_space<hbm>> -> memref<40x128xi32, #tpu.memory_space<hbm>>
        %dma_wait3A_57 = arith.constant 0 : i32
        %dma_wait3A_58 = tpu.memref_slice %arg3[%add3A_26, %dma_wait3A_57] : memref<2560x128xi32, #tpu.memory_space<hbm>> -> memref<40x128xi32, #tpu.memory_space<hbm>>
        tpu.wait_dma2 semaphore(%run_scoped3A : memref<!tpu.dma_semaphore, #tpu.memory_space<semaphore_mem>>) src(%dma_wait3A_58 : memref<40x128xi32, #tpu.memory_space<hbm>>) dst(%arg7 : memref<40x128xi32, #tpu.memory_space<vmem>>)
        tpu.yield
      }) : () -> ()
      %scan3A_27 = arith.constant 0 : i32
      %scan3A_28 = arith.constant 0 : i32
      %scan3A_29 = arith.constant 20 : i32
      %scan3A_30 = arith.addi %scan3A_28, %scan3A_29 : i32
      %scan3A_31 = arith.constant 1 : i32
      scf.for %scan3A_53 = %scan3A_28 to %scan3A_30 step %scan3A_31  : i32 {
        %mul3A_54 = arith.constant 2 : i32
        %mul3A_55 = arith.muli %scan3A_53, %mul3A_54 : i32
        %add3A_56 = arith.constant 0 : i32
        %add3A_57 = arith.addi %mul3A_55, %add3A_56 : i32
        %dma_start3A = arith.constant 0 : i32
        %dma_start3A_58 = tpu.memref_slice %arg7[%add3A_57, %dma_start3A] : memref<40x128xi32, #tpu.memory_space<vmem>> -> memref<1x128xi32, #tpu.memory_space<vmem>>
        %dma_start3A_59 = tpu.memref_squeeze %dma_start3A_58 : memref<1x128xi32, #tpu.memory_space<vmem>> -> memref<128xi32, #tpu.memory_space<vmem>>
        %dma_start3A_60 = arith.constant 0 : i32
        %dma_start3A_61 = arith.constant 0 : i32
        %dma_start3A_62 = tpu.memref_slice %arg4[%dma_start3A_60, %dma_start3A_61] : memref<10000x128xf32, #tpu.memory_space<hbm>> -> memref<10000x128xf32, #tpu.memory_space<hbm>>
        tpu.enqueue_indirect_dma source(%dma_start3A_62 : memref<10000x128xf32, #tpu.memory_space<hbm>>) target(%arg8 : memref<128x128xf32, #tpu.memory_space<vmem>>) offsets(%dma_start3A_59 : memref<128xi32, #tpu.memory_space<vmem>>) semaphore(%arg10 : memref<!tpu.dma_semaphore, #tpu.memory_space<semaphore_mem>>)
        %dma_wait3A = arith.constant 0 : i32
        %dma_wait3A_63 = tpu.memref_slice %arg7[%add3A_57, %dma_wait3A] : memref<40x128xi32, #tpu.memory_space<vmem>> -> memref<1x128xi32, #tpu.memory_space<vmem>>
        %dma_wait3A_64 = tpu.memref_squeeze %dma_wait3A_63 : memref<1x128xi32, #tpu.memory_space<vmem>> -> memref<128xi32, #tpu.memory_space<vmem>>
        %dma_wait3A_65 = arith.constant 0 : i32
        %dma_wait3A_66 = arith.constant 0 : i32
        %dma_wait3A_67 = tpu.memref_slice %arg4[%dma_wait3A_65, %dma_wait3A_66] : memref<10000x128xf32, #tpu.memory_space<hbm>> -> memref<10000x128xf32, #tpu.memory_space<hbm>>
        tpu.wait_indirect_dma semaphore(%arg10 : memref<!tpu.dma_semaphore, #tpu.memory_space<semaphore_mem>>) src(%dma_wait3A_67 : memref<10000x128xf32, #tpu.memory_space<hbm>>) dst(%arg8 : memref<128x128xf32, #tpu.memory_space<vmem>>)
        %dma_start3A_68 = arith.constant 0 : i32
        %dma_start3A_69 = tpu.memref_slice %arg6[%add3A_57, %dma_start3A_68] : memref<40x128xi32, #tpu.memory_space<vmem>> -> memref<1x128xi32, #tpu.memory_space<vmem>>
        %dma_start3A_70 = tpu.memref_squeeze %dma_start3A_69 : memref<1x128xi32, #tpu.memory_space<vmem>> -> memref<128xi32, #tpu.memory_space<vmem>>
        %dma_start3A_71 = arith.constant 0 : i32
        %dma_start3A_72 = arith.constant 0 : i32
        %dma_start3A_73 = tpu.memref_slice %arg14[%dma_start3A_71, %dma_start3A_72] : memref<10240x128xf32, #tpu.memory_space<vmem_shared>> -> memref<10240x128xf32, #tpu.memory_space<vmem_shared>>
        tpu.enqueue_indirect_dma source(%arg8 : memref<128x128xf32, #tpu.memory_space<vmem>>) target(%dma_start3A_73 : memref<10240x128xf32, #tpu.memory_space<vmem_shared>>) offsets(%dma_start3A_70 : memref<128xi32, #tpu.memory_space<vmem>>) semaphore(%arg12 : memref<!tpu.dma_semaphore, #tpu.memory_space<semaphore_mem>>) {add = true}
        %mul3A_74 = arith.constant 2 : i32
        %mul3A_75 = arith.muli %scan3A_53, %mul3A_74 : i32
        %add3A_76 = arith.constant 1 : i32
        %add3A_77 = arith.addi %mul3A_75, %add3A_76 : i32
        %dma_start3A_78 = arith.constant 0 : i32
        %dma_start3A_79 = tpu.memref_slice %arg7[%add3A_77, %dma_start3A_78] : memref<40x128xi32, #tpu.memory_space<vmem>> -> memref<1x128xi32, #tpu.memory_space<vmem>>
        %dma_start3A_80 = tpu.memref_squeeze %dma_start3A_79 : memref<1x128xi32, #tpu.memory_space<vmem>> -> memref<128xi32, #tpu.memory_space<vmem>>
        %dma_start3A_81 = arith.constant 0 : i32
        %dma_start3A_82 = arith.constant 0 : i32
        %dma_start3A_83 = tpu.memref_slice %arg4[%dma_start3A_81, %dma_start3A_82] : memref<10000x128xf32, #tpu.memory_space<hbm>> -> memref<10000x128xf32, #tpu.memory_space<hbm>>
        tpu.enqueue_indirect_dma source(%dma_start3A_83 : memref<10000x128xf32, #tpu.memory_space<hbm>>) target(%arg9 : memref<128x128xf32, #tpu.memory_space<vmem>>) offsets(%dma_start3A_80 : memref<128xi32, #tpu.memory_space<vmem>>) semaphore(%arg11 : memref<!tpu.dma_semaphore, #tpu.memory_space<semaphore_mem>>)
        %dma_wait3A_84 = arith.constant 0 : i32
        %dma_wait3A_85 = tpu.memref_slice %arg7[%add3A_77, %dma_wait3A_84] : memref<40x128xi32, #tpu.memory_space<vmem>> -> memref<1x128xi32, #tpu.memory_space<vmem>>
        %dma_wait3A_86 = tpu.memref_squeeze %dma_wait3A_85 : memref<1x128xi32, #tpu.memory_space<vmem>> -> memref<128xi32, #tpu.memory_space<vmem>>
        %dma_wait3A_87 = arith.constant 0 : i32
        %dma_wait3A_88 = arith.constant 0 : i32
        %dma_wait3A_89 = tpu.memref_slice %arg4[%dma_wait3A_87, %dma_wait3A_88] : memref<10000x128xf32, #tpu.memory_space<hbm>> -> memref<10000x128xf32, #tpu.memory_space<hbm>>
        tpu.wait_indirect_dma semaphore(%arg11 : memref<!tpu.dma_semaphore, #tpu.memory_space<semaphore_mem>>) src(%dma_wait3A_89 : memref<10000x128xf32, #tpu.memory_space<hbm>>) dst(%arg9 : memref<128x128xf32, #tpu.memory_space<vmem>>)
        %dma_start3A_90 = arith.constant 0 : i32
        %dma_start3A_91 = tpu.memref_slice %arg6[%add3A_77, %dma_start3A_90] : memref<40x128xi32, #tpu.memory_space<vmem>> -> memref<1x128xi32, #tpu.memory_space<vmem>>
        %dma_start3A_92 = tpu.memref_squeeze %dma_start3A_91 : memref<1x128xi32, #tpu.memory_space<vmem>> -> memref<128xi32, #tpu.memory_space<vmem>>
        %dma_start3A_93 = arith.constant 0 : i32
        %dma_start3A_94 = arith.constant 0 : i32
        %dma_start3A_95 = tpu.memref_slice %arg14[%dma_start3A_93, %dma_start3A_94] : memref<10240x128xf32, #tpu.memory_space<vmem_shared>> -> memref<10240x128xf32, #tpu.memory_space<vmem_shared>>
        tpu.enqueue_indirect_dma source(%arg9 : memref<128x128xf32, #tpu.memory_space<vmem>>) target(%dma_start3A_95 : memref<10240x128xf32, #tpu.memory_space<vmem_shared>>) offsets(%dma_start3A_92 : memref<128xi32, #tpu.memory_space<vmem>>) semaphore(%arg13 : memref<!tpu.dma_semaphore, #tpu.memory_space<semaphore_mem>>) {add = true}
        %dma_wait3A_96 = arith.constant 0 : i32
        %dma_wait3A_97 = tpu.memref_slice %arg6[%add3A_57, %dma_wait3A_96] : memref<40x128xi32, #tpu.memory_space<vmem>> -> memref<1x128xi32, #tpu.memory_space<vmem>>
        %dma_wait3A_98 = tpu.memref_squeeze %dma_wait3A_97 : memref<1x128xi32, #tpu.memory_space<vmem>> -> memref<128xi32, #tpu.memory_space<vmem>>
        %dma_wait3A_99 = arith.constant 0 : i32
        %dma_wait3A_100 = arith.constant 0 : i32
        %dma_wait3A_101 = tpu.memref_slice %arg14[%dma_wait3A_99, %dma_wait3A_100] : memref<10240x128xf32, #tpu.memory_space<vmem_shared>> -> memref<10240x128xf32, #tpu.memory_space<vmem_shared>>
        tpu.wait_indirect_dma semaphore(%arg12 : memref<!tpu.dma_semaphore, #tpu.memory_space<semaphore_mem>>) src(%arg8 : memref<128x128xf32, #tpu.memory_space<vmem>>) dst(%dma_wait3A_101 : memref<10240x128xf32, #tpu.memory_space<vmem_shared>>)
        %dma_wait3A_102 = arith.constant 0 : i32
        %dma_wait3A_103 = tpu.memref_slice %arg6[%add3A_77, %dma_wait3A_102] : memref<40x128xi32, #tpu.memory_space<vmem>> -> memref<1x128xi32, #tpu.memory_space<vmem>>
        %dma_wait3A_104 = tpu.memref_squeeze %dma_wait3A_103 : memref<1x128xi32, #tpu.memory_space<vmem>> -> memref<128xi32, #tpu.memory_space<vmem>>
        %dma_wait3A_105 = arith.constant 0 : i32
        %dma_wait3A_106 = arith.constant 0 : i32
        %dma_wait3A_107 = tpu.memref_slice %arg14[%dma_wait3A_105, %dma_wait3A_106] : memref<10240x128xf32, #tpu.memory_space<vmem_shared>> -> memref<10240x128xf32, #tpu.memory_space<vmem_shared>>
        tpu.wait_indirect_dma semaphore(%arg13 : memref<!tpu.dma_semaphore, #tpu.memory_space<semaphore_mem>>) src(%arg9 : memref<128x128xf32, #tpu.memory_space<vmem>>) dst(%dma_wait3A_107 : memref<10240x128xf32, #tpu.memory_space<vmem_shared>>)
      }
      %scan3A_32 = arith.constant 20 : i32
      %mul3A_33 = arith.constant 120 : i32
      %mul3A_34 = arith.muli %arg1, %mul3A_33 : i32
      %add3A_35 = arith.constant 40 : i32
      %add3A_36 = arith.addi %mul3A_34, %add3A_35 : i32
      "tpu.region"() ({
        %run_scoped3A = tpu.sem_alloc : memref<!tpu.dma_semaphore, #tpu.memory_space<semaphore_mem>>
        %dma_start3A = arith.constant 0 : i32
        %dma_start3A_53 = tpu.memref_slice %arg2[%add3A_36, %dma_start3A] : memref<2560x128xi32, #tpu.memory_space<hbm>> -> memref<40x128xi32, #tpu.memory_space<hbm>>
        %dma_start3A_54 = arith.constant 0 : i32
        %dma_start3A_55 = tpu.memref_slice %arg2[%add3A_36, %dma_start3A_54] : memref<2560x128xi32, #tpu.memory_space<hbm>> -> memref<40x128xi32, #tpu.memory_space<hbm>>
        tpu.enqueue_dma source(%dma_start3A_55 : memref<40x128xi32, #tpu.memory_space<hbm>>) target(%arg6 : memref<40x128xi32, #tpu.memory_space<vmem>>) target_semaphore(%run_scoped3A : memref<!tpu.dma_semaphore, #tpu.memory_space<semaphore_mem>>)
        %dma_wait3A = arith.constant 0 : i32
        %dma_wait3A_56 = tpu.memref_slice %arg2[%add3A_36, %dma_wait3A] : memref<2560x128xi32, #tpu.memory_space<hbm>> -> memref<40x128xi32, #tpu.memory_space<hbm>>
        %dma_wait3A_57 = arith.constant 0 : i32
        %dma_wait3A_58 = tpu.memref_slice %arg2[%add3A_36, %dma_wait3A_57] : memref<2560x128xi32, #tpu.memory_space<hbm>> -> memref<40x128xi32, #tpu.memory_space<hbm>>
        tpu.wait_dma2 semaphore(%run_scoped3A : memref<!tpu.dma_semaphore, #tpu.memory_space<semaphore_mem>>) src(%dma_wait3A_58 : memref<40x128xi32, #tpu.memory_space<hbm>>) dst(%arg6 : memref<40x128xi32, #tpu.memory_space<vmem>>)
        tpu.yield
      }) : () -> ()
      "tpu.region"() ({
        %run_scoped3A = tpu.sem_alloc : memref<!tpu.dma_semaphore, #tpu.memory_space<semaphore_mem>>
        %dma_start3A = arith.constant 0 : i32
        %dma_start3A_53 = tpu.memref_slice %arg3[%add3A_36, %dma_start3A] : memref<2560x128xi32, #tpu.memory_space<hbm>> -> memref<40x128xi32, #tpu.memory_space<hbm>>
        %dma_start3A_54 = arith.constant 0 : i32
        %dma_start3A_55 = tpu.memref_slice %arg3[%add3A_36, %dma_start3A_54] : memref<2560x128xi32, #tpu.memory_space<hbm>> -> memref<40x128xi32, #tpu.memory_space<hbm>>
        tpu.enqueue_dma source(%dma_start3A_55 : memref<40x128xi32, #tpu.memory_space<hbm>>) target(%arg7 : memref<40x128xi32, #tpu.memory_space<vmem>>) target_semaphore(%run_scoped3A : memref<!tpu.dma_semaphore, #tpu.memory_space<semaphore_mem>>)
        %dma_wait3A = arith.constant 0 : i32
        %dma_wait3A_56 = tpu.memref_slice %arg3[%add3A_36, %dma_wait3A] : memref<2560x128xi32, #tpu.memory_space<hbm>> -> memref<40x128xi32, #tpu.memory_space<hbm>>
        %dma_wait3A_57 = arith.constant 0 : i32
        %dma_wait3A_58 = tpu.memref_slice %arg3[%add3A_36, %dma_wait3A_57] : memref<2560x128xi32, #tpu.memory_space<hbm>> -> memref<40x128xi32, #tpu.memory_space<hbm>>
        tpu.wait_dma2 semaphore(%run_scoped3A : memref<!tpu.dma_semaphore, #tpu.memory_space<semaphore_mem>>) src(%dma_wait3A_58 : memref<40x128xi32, #tpu.memory_space<hbm>>) dst(%arg7 : memref<40x128xi32, #tpu.memory_space<vmem>>)
        tpu.yield
      }) : () -> ()
      %scan3A_37 = arith.constant 0 : i32
      %scan3A_38 = arith.constant 0 : i32
      %scan3A_39 = arith.constant 20 : i32
      %scan3A_40 = arith.addi %scan3A_38, %scan3A_39 : i32
      %scan3A_41 = arith.constant 1 : i32
      scf.for %scan3A_53 = %scan3A_38 to %scan3A_40 step %scan3A_41  : i32 {
        %mul3A_54 = arith.constant 2 : i32
        %mul3A_55 = arith.muli %scan3A_53, %mul3A_54 : i32
        %add3A_56 = arith.constant 0 : i32
        %add3A_57 = arith.addi %mul3A_55, %add3A_56 : i32
        %dma_start3A = arith.constant 0 : i32
        %dma_start3A_58 = tpu.memref_slice %arg7[%add3A_57, %dma_start3A] : memref<40x128xi32, #tpu.memory_space<vmem>> -> memref<1x128xi32, #tpu.memory_space<vmem>>
        %dma_start3A_59 = tpu.memref_squeeze %dma_start3A_58 : memref<1x128xi32, #tpu.memory_space<vmem>> -> memref<128xi32, #tpu.memory_space<vmem>>
        %dma_start3A_60 = arith.constant 0 : i32
        %dma_start3A_61 = arith.constant 0 : i32
        %dma_start3A_62 = tpu.memref_slice %arg4[%dma_start3A_60, %dma_start3A_61] : memref<10000x128xf32, #tpu.memory_space<hbm>> -> memref<10000x128xf32, #tpu.memory_space<hbm>>
        tpu.enqueue_indirect_dma source(%dma_start3A_62 : memref<10000x128xf32, #tpu.memory_space<hbm>>) target(%arg8 : memref<128x128xf32, #tpu.memory_space<vmem>>) offsets(%dma_start3A_59 : memref<128xi32, #tpu.memory_space<vmem>>) semaphore(%arg10 : memref<!tpu.dma_semaphore, #tpu.memory_space<semaphore_mem>>)
        %dma_wait3A = arith.constant 0 : i32
        %dma_wait3A_63 = tpu.memref_slice %arg7[%add3A_57, %dma_wait3A] : memref<40x128xi32, #tpu.memory_space<vmem>> -> memref<1x128xi32, #tpu.memory_space<vmem>>
        %dma_wait3A_64 = tpu.memref_squeeze %dma_wait3A_63 : memref<1x128xi32, #tpu.memory_space<vmem>> -> memref<128xi32, #tpu.memory_space<vmem>>
        %dma_wait3A_65 = arith.constant 0 : i32
        %dma_wait3A_66 = arith.constant 0 : i32
        %dma_wait3A_67 = tpu.memref_slice %arg4[%dma_wait3A_65, %dma_wait3A_66] : memref<10000x128xf32, #tpu.memory_space<hbm>> -> memref<10000x128xf32, #tpu.memory_space<hbm>>
        tpu.wait_indirect_dma semaphore(%arg10 : memref<!tpu.dma_semaphore, #tpu.memory_space<semaphore_mem>>) src(%dma_wait3A_67 : memref<10000x128xf32, #tpu.memory_space<hbm>>) dst(%arg8 : memref<128x128xf32, #tpu.memory_space<vmem>>)
        %dma_start3A_68 = arith.constant 0 : i32
        %dma_start3A_69 = tpu.memref_slice %arg6[%add3A_57, %dma_start3A_68] : memref<40x128xi32, #tpu.memory_space<vmem>> -> memref<1x128xi32, #tpu.memory_space<vmem>>
        %dma_start3A_70 = tpu.memref_squeeze %dma_start3A_69 : memref<1x128xi32, #tpu.memory_space<vmem>> -> memref<128xi32, #tpu.memory_space<vmem>>
        %dma_start3A_71 = arith.constant 0 : i32
        %dma_start3A_72 = arith.constant 0 : i32
        %dma_start3A_73 = tpu.memref_slice %arg14[%dma_start3A_71, %dma_start3A_72] : memref<10240x128xf32, #tpu.memory_space<vmem_shared>> -> memref<10240x128xf32, #tpu.memory_space<vmem_shared>>
        tpu.enqueue_indirect_dma source(%arg8 : memref<128x128xf32, #tpu.memory_space<vmem>>) target(%dma_start3A_73 : memref<10240x128xf32, #tpu.memory_space<vmem_shared>>) offsets(%dma_start3A_70 : memref<128xi32, #tpu.memory_space<vmem>>) semaphore(%arg12 : memref<!tpu.dma_semaphore, #tpu.memory_space<semaphore_mem>>) {add = true}
        %mul3A_74 = arith.constant 2 : i32
        %mul3A_75 = arith.muli %scan3A_53, %mul3A_74 : i32
        %add3A_76 = arith.constant 1 : i32
        %add3A_77 = arith.addi %mul3A_75, %add3A_76 : i32
        %dma_start3A_78 = arith.constant 0 : i32
        %dma_start3A_79 = tpu.memref_slice %arg7[%add3A_77, %dma_start3A_78] : memref<40x128xi32, #tpu.memory_space<vmem>> -> memref<1x128xi32, #tpu.memory_space<vmem>>
        %dma_start3A_80 = tpu.memref_squeeze %dma_start3A_79 : memref<1x128xi32, #tpu.memory_space<vmem>> -> memref<128xi32, #tpu.memory_space<vmem>>
        %dma_start3A_81 = arith.constant 0 : i32
        %dma_start3A_82 = arith.constant 0 : i32
        %dma_start3A_83 = tpu.memref_slice %arg4[%dma_start3A_81, %dma_start3A_82] : memref<10000x128xf32, #tpu.memory_space<hbm>> -> memref<10000x128xf32, #tpu.memory_space<hbm>>
        tpu.enqueue_indirect_dma source(%dma_start3A_83 : memref<10000x128xf32, #tpu.memory_space<hbm>>) target(%arg9 : memref<128x128xf32, #tpu.memory_space<vmem>>) offsets(%dma_start3A_80 : memref<128xi32, #tpu.memory_space<vmem>>) semaphore(%arg11 : memref<!tpu.dma_semaphore, #tpu.memory_space<semaphore_mem>>)
        %dma_wait3A_84 = arith.constant 0 : i32
        %dma_wait3A_85 = tpu.memref_slice %arg7[%add3A_77, %dma_wait3A_84] : memref<40x128xi32, #tpu.memory_space<vmem>> -> memref<1x128xi32, #tpu.memory_space<vmem>>
        %dma_wait3A_86 = tpu.memref_squeeze %dma_wait3A_85 : memref<1x128xi32, #tpu.memory_space<vmem>> -> memref<128xi32, #tpu.memory_space<vmem>>
        %dma_wait3A_87 = arith.constant 0 : i32
        %dma_wait3A_88 = arith.constant 0 : i32
        %dma_wait3A_89 = tpu.memref_slice %arg4[%dma_wait3A_87, %dma_wait3A_88] : memref<10000x128xf32, #tpu.memory_space<hbm>> -> memref<10000x128xf32, #tpu.memory_space<hbm>>
        tpu.wait_indirect_dma semaphore(%arg11 : memref<!tpu.dma_semaphore, #tpu.memory_space<semaphore_mem>>) src(%dma_wait3A_89 : memref<10000x128xf32, #tpu.memory_space<hbm>>) dst(%arg9 : memref<128x128xf32, #tpu.memory_space<vmem>>)
        %dma_start3A_90 = arith.constant 0 : i32
        %dma_start3A_91 = tpu.memref_slice %arg6[%add3A_77, %dma_start3A_90] : memref<40x128xi32, #tpu.memory_space<vmem>> -> memref<1x128xi32, #tpu.memory_space<vmem>>
        %dma_start3A_92 = tpu.memref_squeeze %dma_start3A_91 : memref<1x128xi32, #tpu.memory_space<vmem>> -> memref<128xi32, #tpu.memory_space<vmem>>
        %dma_start3A_93 = arith.constant 0 : i32
        %dma_start3A_94 = arith.constant 0 : i32
        %dma_start3A_95 = tpu.memref_slice %arg14[%dma_start3A_93, %dma_start3A_94] : memref<10240x128xf32, #tpu.memory_space<vmem_shared>> -> memref<10240x128xf32, #tpu.memory_space<vmem_shared>>
        tpu.enqueue_indirect_dma source(%arg9 : memref<128x128xf32, #tpu.memory_space<vmem>>) target(%dma_start3A_95 : memref<10240x128xf32, #tpu.memory_space<vmem_shared>>) offsets(%dma_start3A_92 : memref<128xi32, #tpu.memory_space<vmem>>) semaphore(%arg13 : memref<!tpu.dma_semaphore, #tpu.memory_space<semaphore_mem>>) {add = true}
        %dma_wait3A_96 = arith.constant 0 : i32
        %dma_wait3A_97 = tpu.memref_slice %arg6[%add3A_57, %dma_wait3A_96] : memref<40x128xi32, #tpu.memory_space<vmem>> -> memref<1x128xi32, #tpu.memory_space<vmem>>
        %dma_wait3A_98 = tpu.memref_squeeze %dma_wait3A_97 : memref<1x128xi32, #tpu.memory_space<vmem>> -> memref<128xi32, #tpu.memory_space<vmem>>
        %dma_wait3A_99 = arith.constant 0 : i32
        %dma_wait3A_100 = arith.constant 0 : i32
        %dma_wait3A_101 = tpu.memref_slice %arg14[%dma_wait3A_99, %dma_wait3A_100] : memref<10240x128xf32, #tpu.memory_space<vmem_shared>> -> memref<10240x128xf32, #tpu.memory_space<vmem_shared>>
        tpu.wait_indirect_dma semaphore(%arg12 : memref<!tpu.dma_semaphore, #tpu.memory_space<semaphore_mem>>) src(%arg8 : memref<128x128xf32, #tpu.memory_space<vmem>>) dst(%dma_wait3A_101 : memref<10240x128xf32, #tpu.memory_space<vmem_shared>>)
        %dma_wait3A_102 = arith.constant 0 : i32
        %dma_wait3A_103 = tpu.memref_slice %arg6[%add3A_77, %dma_wait3A_102] : memref<40x128xi32, #tpu.memory_space<vmem>> -> memref<1x128xi32, #tpu.memory_space<vmem>>
        %dma_wait3A_104 = tpu.memref_squeeze %dma_wait3A_103 : memref<1x128xi32, #tpu.memory_space<vmem>> -> memref<128xi32, #tpu.memory_space<vmem>>
        %dma_wait3A_105 = arith.constant 0 : i32
        %dma_wait3A_106 = arith.constant 0 : i32
        %dma_wait3A_107 = tpu.memref_slice %arg14[%dma_wait3A_105, %dma_wait3A_106] : memref<10240x128xf32, #tpu.memory_space<vmem_shared>> -> memref<10240x128xf32, #tpu.memory_space<vmem_shared>>
        tpu.wait_indirect_dma semaphore(%arg13 : memref<!tpu.dma_semaphore, #tpu.memory_space<semaphore_mem>>) src(%arg9 : memref<128x128xf32, #tpu.memory_space<vmem>>) dst(%dma_wait3A_107 : memref<10240x128xf32, #tpu.memory_space<vmem_shared>>)
      }
      %scan3A_42 = arith.constant 20 : i32
      %mul3A_43 = arith.constant 120 : i32
      %mul3A_44 = arith.muli %arg1, %mul3A_43 : i32
      %add3A_45 = arith.constant 80 : i32
      %add3A_46 = arith.addi %mul3A_44, %add3A_45 : i32
      "tpu.region"() ({
        %run_scoped3A = tpu.sem_alloc : memref<!tpu.dma_semaphore, #tpu.memory_space<semaphore_mem>>
        %dma_start3A = arith.constant 0 : i32
        %dma_start3A_53 = tpu.memref_slice %arg2[%add3A_46, %dma_start3A] : memref<2560x128xi32, #tpu.memory_space<hbm>> -> memref<40x128xi32, #tpu.memory_space<hbm>>
        %dma_start3A_54 = arith.constant 0 : i32
        %dma_start3A_55 = tpu.memref_slice %arg2[%add3A_46, %dma_start3A_54] : memref<2560x128xi32, #tpu.memory_space<hbm>> -> memref<40x128xi32, #tpu.memory_space<hbm>>
        tpu.enqueue_dma source(%dma_start3A_55 : memref<40x128xi32, #tpu.memory_space<hbm>>) target(%arg6 : memref<40x128xi32, #tpu.memory_space<vmem>>) target_semaphore(%run_scoped3A : memref<!tpu.dma_semaphore, #tpu.memory_space<semaphore_mem>>)
        %dma_wait3A = arith.constant 0 : i32
        %dma_wait3A_56 = tpu.memref_slice %arg2[%add3A_46, %dma_wait3A] : memref<2560x128xi32, #tpu.memory_space<hbm>> -> memref<40x128xi32, #tpu.memory_space<hbm>>
        %dma_wait3A_57 = arith.constant 0 : i32
        %dma_wait3A_58 = tpu.memref_slice %arg2[%add3A_46, %dma_wait3A_57] : memref<2560x128xi32, #tpu.memory_space<hbm>> -> memref<40x128xi32, #tpu.memory_space<hbm>>
        tpu.wait_dma2 semaphore(%run_scoped3A : memref<!tpu.dma_semaphore, #tpu.memory_space<semaphore_mem>>) src(%dma_wait3A_58 : memref<40x128xi32, #tpu.memory_space<hbm>>) dst(%arg6 : memref<40x128xi32, #tpu.memory_space<vmem>>)
        tpu.yield
      }) : () -> ()
      "tpu.region"() ({
        %run_scoped3A = tpu.sem_alloc : memref<!tpu.dma_semaphore, #tpu.memory_space<semaphore_mem>>
        %dma_start3A = arith.constant 0 : i32
        %dma_start3A_53 = tpu.memref_slice %arg3[%add3A_46, %dma_start3A] : memref<2560x128xi32, #tpu.memory_space<hbm>> -> memref<40x128xi32, #tpu.memory_space<hbm>>
        %dma_start3A_54 = arith.constant 0 : i32
        %dma_start3A_55 = tpu.memref_slice %arg3[%add3A_46, %dma_start3A_54] : memref<2560x128xi32, #tpu.memory_space<hbm>> -> memref<40x128xi32, #tpu.memory_space<hbm>>
        tpu.enqueue_dma source(%dma_start3A_55 : memref<40x128xi32, #tpu.memory_space<hbm>>) target(%arg7 : memref<40x128xi32, #tpu.memory_space<vmem>>) target_semaphore(%run_scoped3A : memref<!tpu.dma_semaphore, #tpu.memory_space<semaphore_mem>>)
        %dma_wait3A = arith.constant 0 : i32
        %dma_wait3A_56 = tpu.memref_slice %arg3[%add3A_46, %dma_wait3A] : memref<2560x128xi32, #tpu.memory_space<hbm>> -> memref<40x128xi32, #tpu.memory_space<hbm>>
        %dma_wait3A_57 = arith.constant 0 : i32
        %dma_wait3A_58 = tpu.memref_slice %arg3[%add3A_46, %dma_wait3A_57] : memref<2560x128xi32, #tpu.memory_space<hbm>> -> memref<40x128xi32, #tpu.memory_space<hbm>>
        tpu.wait_dma2 semaphore(%run_scoped3A : memref<!tpu.dma_semaphore, #tpu.memory_space<semaphore_mem>>) src(%dma_wait3A_58 : memref<40x128xi32, #tpu.memory_space<hbm>>) dst(%arg7 : memref<40x128xi32, #tpu.memory_space<vmem>>)
        tpu.yield
      }) : () -> ()
      %scan3A_47 = arith.constant 0 : i32
      %scan3A_48 = arith.constant 0 : i32
      %scan3A_49 = arith.constant 20 : i32
      %scan3A_50 = arith.addi %scan3A_48, %scan3A_49 : i32
      %scan3A_51 = arith.constant 1 : i32
      scf.for %scan3A_53 = %scan3A_48 to %scan3A_50 step %scan3A_51  : i32 {
        %mul3A_54 = arith.constant 2 : i32
        %mul3A_55 = arith.muli %scan3A_53, %mul3A_54 : i32
        %add3A_56 = arith.constant 0 : i32
        %add3A_57 = arith.addi %mul3A_55, %add3A_56 : i32
        %dma_start3A = arith.constant 0 : i32
        %dma_start3A_58 = tpu.memref_slice %arg7[%add3A_57, %dma_start3A] : memref<40x128xi32, #tpu.memory_space<vmem>> -> memref<1x128xi32, #tpu.memory_space<vmem>>
        %dma_start3A_59 = tpu.memref_squeeze %dma_start3A_58 : memref<1x128xi32, #tpu.memory_space<vmem>> -> memref<128xi32, #tpu.memory_space<vmem>>
        %dma_start3A_60 = arith.constant 0 : i32
        %dma_start3A_61 = arith.constant 0 : i32
        %dma_start3A_62 = tpu.memref_slice %arg4[%dma_start3A_60, %dma_start3A_61] : memref<10000x128xf32, #tpu.memory_space<hbm>> -> memref<10000x128xf32, #tpu.memory_space<hbm>>
        tpu.enqueue_indirect_dma source(%dma_start3A_62 : memref<10000x128xf32, #tpu.memory_space<hbm>>) target(%arg8 : memref<128x128xf32, #tpu.memory_space<vmem>>) offsets(%dma_start3A_59 : memref<128xi32, #tpu.memory_space<vmem>>) semaphore(%arg10 : memref<!tpu.dma_semaphore, #tpu.memory_space<semaphore_mem>>)
        %dma_wait3A = arith.constant 0 : i32
        %dma_wait3A_63 = tpu.memref_slice %arg7[%add3A_57, %dma_wait3A] : memref<40x128xi32, #tpu.memory_space<vmem>> -> memref<1x128xi32, #tpu.memory_space<vmem>>
        %dma_wait3A_64 = tpu.memref_squeeze %dma_wait3A_63 : memref<1x128xi32, #tpu.memory_space<vmem>> -> memref<128xi32, #tpu.memory_space<vmem>>
        %dma_wait3A_65 = arith.constant 0 : i32
        %dma_wait3A_66 = arith.constant 0 : i32
        %dma_wait3A_67 = tpu.memref_slice %arg4[%dma_wait3A_65, %dma_wait3A_66] : memref<10000x128xf32, #tpu.memory_space<hbm>> -> memref<10000x128xf32, #tpu.memory_space<hbm>>
        tpu.wait_indirect_dma semaphore(%arg10 : memref<!tpu.dma_semaphore, #tpu.memory_space<semaphore_mem>>) src(%dma_wait3A_67 : memref<10000x128xf32, #tpu.memory_space<hbm>>) dst(%arg8 : memref<128x128xf32, #tpu.memory_space<vmem>>)
        %dma_start3A_68 = arith.constant 0 : i32
        %dma_start3A_69 = tpu.memref_slice %arg6[%add3A_57, %dma_start3A_68] : memref<40x128xi32, #tpu.memory_space<vmem>> -> memref<1x128xi32, #tpu.memory_space<vmem>>
        %dma_start3A_70 = tpu.memref_squeeze %dma_start3A_69 : memref<1x128xi32, #tpu.memory_space<vmem>> -> memref<128xi32, #tpu.memory_space<vmem>>
        %dma_start3A_71 = arith.constant 0 : i32
        %dma_start3A_72 = arith.constant 0 : i32
        %dma_start3A_73 = tpu.memref_slice %arg14[%dma_start3A_71, %dma_start3A_72] : memref<10240x128xf32, #tpu.memory_space<vmem_shared>> -> memref<10240x128xf32, #tpu.memory_space<vmem_shared>>
        tpu.enqueue_indirect_dma source(%arg8 : memref<128x128xf32, #tpu.memory_space<vmem>>) target(%dma_start3A_73 : memref<10240x128xf32, #tpu.memory_space<vmem_shared>>) offsets(%dma_start3A_70 : memref<128xi32, #tpu.memory_space<vmem>>) semaphore(%arg12 : memref<!tpu.dma_semaphore, #tpu.memory_space<semaphore_mem>>) {add = true}
        %mul3A_74 = arith.constant 2 : i32
        %mul3A_75 = arith.muli %scan3A_53, %mul3A_74 : i32
        %add3A_76 = arith.constant 1 : i32
        %add3A_77 = arith.addi %mul3A_75, %add3A_76 : i32
        %dma_start3A_78 = arith.constant 0 : i32
        %dma_start3A_79 = tpu.memref_slice %arg7[%add3A_77, %dma_start3A_78] : memref<40x128xi32, #tpu.memory_space<vmem>> -> memref<1x128xi32, #tpu.memory_space<vmem>>
        %dma_start3A_80 = tpu.memref_squeeze %dma_start3A_79 : memref<1x128xi32, #tpu.memory_space<vmem>> -> memref<128xi32, #tpu.memory_space<vmem>>
        %dma_start3A_81 = arith.constant 0 : i32
        %dma_start3A_82 = arith.constant 0 : i32
        %dma_start3A_83 = tpu.memref_slice %arg4[%dma_start3A_81, %dma_start3A_82] : memref<10000x128xf32, #tpu.memory_space<hbm>> -> memref<10000x128xf32, #tpu.memory_space<hbm>>
        tpu.enqueue_indirect_dma source(%dma_start3A_83 : memref<10000x128xf32, #tpu.memory_space<hbm>>) target(%arg9 : memref<128x128xf32, #tpu.memory_space<vmem>>) offsets(%dma_start3A_80 : memref<128xi32, #tpu.memory_space<vmem>>) semaphore(%arg11 : memref<!tpu.dma_semaphore, #tpu.memory_space<semaphore_mem>>)
        %dma_wait3A_84 = arith.constant 0 : i32
        %dma_wait3A_85 = tpu.memref_slice %arg7[%add3A_77, %dma_wait3A_84] : memref<40x128xi32, #tpu.memory_space<vmem>> -> memref<1x128xi32, #tpu.memory_space<vmem>>
        %dma_wait3A_86 = tpu.memref_squeeze %dma_wait3A_85 : memref<1x128xi32, #tpu.memory_space<vmem>> -> memref<128xi32, #tpu.memory_space<vmem>>
        %dma_wait3A_87 = arith.constant 0 : i32
        %dma_wait3A_88 = arith.constant 0 : i32
        %dma_wait3A_89 = tpu.memref_slice %arg4[%dma_wait3A_87, %dma_wait3A_88] : memref<10000x128xf32, #tpu.memory_space<hbm>> -> memref<10000x128xf32, #tpu.memory_space<hbm>>
        tpu.wait_indirect_dma semaphore(%arg11 : memref<!tpu.dma_semaphore, #tpu.memory_space<semaphore_mem>>) src(%dma_wait3A_89 : memref<10000x128xf32, #tpu.memory_space<hbm>>) dst(%arg9 : memref<128x128xf32, #tpu.memory_space<vmem>>)
        %dma_start3A_90 = arith.constant 0 : i32
        %dma_start3A_91 = tpu.memref_slice %arg6[%add3A_77, %dma_start3A_90] : memref<40x128xi32, #tpu.memory_space<vmem>> -> memref<1x128xi32, #tpu.memory_space<vmem>>
        %dma_start3A_92 = tpu.memref_squeeze %dma_start3A_91 : memref<1x128xi32, #tpu.memory_space<vmem>> -> memref<128xi32, #tpu.memory_space<vmem>>
        %dma_start3A_93 = arith.constant 0 : i32
        %dma_start3A_94 = arith.constant 0 : i32
        %dma_start3A_95 = tpu.memref_slice %arg14[%dma_start3A_93, %dma_start3A_94] : memref<10240x128xf32, #tpu.memory_space<vmem_shared>> -> memref<10240x128xf32, #tpu.memory_space<vmem_shared>>
        tpu.enqueue_indirect_dma source(%arg9 : memref<128x128xf32, #tpu.memory_space<vmem>>) target(%dma_start3A_95 : memref<10240x128xf32, #tpu.memory_space<vmem_shared>>) offsets(%dma_start3A_92 : memref<128xi32, #tpu.memory_space<vmem>>) semaphore(%arg13 : memref<!tpu.dma_semaphore, #tpu.memory_space<semaphore_mem>>) {add = true}
        %dma_wait3A_96 = arith.constant 0 : i32
        %dma_wait3A_97 = tpu.memref_slice %arg6[%add3A_57, %dma_wait3A_96] : memref<40x128xi32, #tpu.memory_space<vmem>> -> memref<1x128xi32, #tpu.memory_space<vmem>>
        %dma_wait3A_98 = tpu.memref_squeeze %dma_wait3A_97 : memref<1x128xi32, #tpu.memory_space<vmem>> -> memref<128xi32, #tpu.memory_space<vmem>>
        %dma_wait3A_99 = arith.constant 0 : i32
        %dma_wait3A_100 = arith.constant 0 : i32
        %dma_wait3A_101 = tpu.memref_slice %arg14[%dma_wait3A_99, %dma_wait3A_100] : memref<10240x128xf32, #tpu.memory_space<vmem_shared>> -> memref<10240x128xf32, #tpu.memory_space<vmem_shared>>
        tpu.wait_indirect_dma semaphore(%arg12 : memref<!tpu.dma_semaphore, #tpu.memory_space<semaphore_mem>>) src(%arg8 : memref<128x128xf32, #tpu.memory_space<vmem>>) dst(%dma_wait3A_101 : memref<10240x128xf32, #tpu.memory_space<vmem_shared>>)
        %dma_wait3A_102 = arith.constant 0 : i32
        %dma_wait3A_103 = tpu.memref_slice %arg6[%add3A_77, %dma_wait3A_102] : memref<40x128xi32, #tpu.memory_space<vmem>> -> memref<1x128xi32, #tpu.memory_space<vmem>>
        %dma_wait3A_104 = tpu.memref_squeeze %dma_wait3A_103 : memref<1x128xi32, #tpu.memory_space<vmem>> -> memref<128xi32, #tpu.memory_space<vmem>>
        %dma_wait3A_105 = arith.constant 0 : i32
        %dma_wait3A_106 = arith.constant 0 : i32
        %dma_wait3A_107 = tpu.memref_slice %arg14[%dma_wait3A_105, %dma_wait3A_106] : memref<10240x128xf32, #tpu.memory_space<vmem_shared>> -> memref<10240x128xf32, #tpu.memory_space<vmem_shared>>
        tpu.wait_indirect_dma semaphore(%arg13 : memref<!tpu.dma_semaphore, #tpu.memory_space<semaphore_mem>>) src(%arg9 : memref<128x128xf32, #tpu.memory_space<vmem>>) dst(%dma_wait3A_107 : memref<10240x128xf32, #tpu.memory_space<vmem_shared>>)
      }
      %scan3A_52 = arith.constant 20 : i32
    } else {
    }
    %eq3A_13 = arith.constant 1 : i32
    %eq3A_14 = arith.cmpi eq, %arg0, %eq3A_13 : i32
    %convert_element_type3A_15 = arith.extui %eq3A_14 : i1 to i32
    %cond3A_16 = arith.constant 0 : i32
    %cond3A_17 = arith.cmpi ne, %convert_element_type3A_15, %cond3A_16 : i32
    scf.if %cond3A_17 {
      %mul3A = arith.constant 40 : i32
      %mul3A_25 = arith.muli %arg1, %mul3A : i32
      %add3A = arith.constant 1920 : i32
      %add3A_26 = arith.addi %add3A, %mul3A_25 : i32
      %add3A_27 = arith.constant 0 : i32
      %add3A_28 = arith.addi %add3A_26, %add3A_27 : i32
      "tpu.region"() ({
        %run_scoped3A = tpu.sem_alloc : memref<!tpu.dma_semaphore, #tpu.memory_space<semaphore_mem>>
        %dma_start3A = arith.constant 0 : i32
        %dma_start3A_35 = tpu.memref_slice %arg2[%add3A_28, %dma_start3A] : memref<2560x128xi32, #tpu.memory_space<hbm>> -> memref<40x128xi32, #tpu.memory_space<hbm>>
        %dma_start3A_36 = arith.constant 0 : i32
        %dma_start3A_37 = tpu.memref_slice %arg2[%add3A_28, %dma_start3A_36] : memref<2560x128xi32, #tpu.memory_space<hbm>> -> memref<40x128xi32, #tpu.memory_space<hbm>>
        tpu.enqueue_dma source(%dma_start3A_37 : memref<40x128xi32, #tpu.memory_space<hbm>>) target(%arg6 : memref<40x128xi32, #tpu.memory_space<vmem>>) target_semaphore(%run_scoped3A : memref<!tpu.dma_semaphore, #tpu.memory_space<semaphore_mem>>)
        %dma_wait3A = arith.constant 0 : i32
        %dma_wait3A_38 = tpu.memref_slice %arg2[%add3A_28, %dma_wait3A] : memref<2560x128xi32, #tpu.memory_space<hbm>> -> memref<40x128xi32, #tpu.memory_space<hbm>>
        %dma_wait3A_39 = arith.constant 0 : i32
        %dma_wait3A_40 = tpu.memref_slice %arg2[%add3A_28, %dma_wait3A_39] : memref<2560x128xi32, #tpu.memory_space<hbm>> -> memref<40x128xi32, #tpu.memory_space<hbm>>
        tpu.wait_dma2 semaphore(%run_scoped3A : memref<!tpu.dma_semaphore, #tpu.memory_space<semaphore_mem>>) src(%dma_wait3A_40 : memref<40x128xi32, #tpu.memory_space<hbm>>) dst(%arg6 : memref<40x128xi32, #tpu.memory_space<vmem>>)
        tpu.yield
      }) : () -> ()
      "tpu.region"() ({
        %run_scoped3A = tpu.sem_alloc : memref<!tpu.dma_semaphore, #tpu.memory_space<semaphore_mem>>
        %dma_start3A = arith.constant 0 : i32
        %dma_start3A_35 = tpu.memref_slice %arg3[%add3A_28, %dma_start3A] : memref<2560x128xi32, #tpu.memory_space<hbm>> -> memref<40x128xi32, #tpu.memory_space<hbm>>
        %dma_start3A_36 = arith.constant 0 : i32
        %dma_start3A_37 = tpu.memref_slice %arg3[%add3A_28, %dma_start3A_36] : memref<2560x128xi32, #tpu.memory_space<hbm>> -> memref<40x128xi32, #tpu.memory_space<hbm>>
        tpu.enqueue_dma source(%dma_start3A_37 : memref<40x128xi32, #tpu.memory_space<hbm>>) target(%arg7 : memref<40x128xi32, #tpu.memory_space<vmem>>) target_semaphore(%run_scoped3A : memref<!tpu.dma_semaphore, #tpu.memory_space<semaphore_mem>>)
        %dma_wait3A = arith.constant 0 : i32
        %dma_wait3A_38 = tpu.memref_slice %arg3[%add3A_28, %dma_wait3A] : memref<2560x128xi32, #tpu.memory_space<hbm>> -> memref<40x128xi32, #tpu.memory_space<hbm>>
        %dma_wait3A_39 = arith.constant 0 : i32
        %dma_wait3A_40 = tpu.memref_slice %arg3[%add3A_28, %dma_wait3A_39] : memref<2560x128xi32, #tpu.memory_space<hbm>> -> memref<40x128xi32, #tpu.memory_space<hbm>>
        tpu.wait_dma2 semaphore(%run_scoped3A : memref<!tpu.dma_semaphore, #tpu.memory_space<semaphore_mem>>) src(%dma_wait3A_40 : memref<40x128xi32, #tpu.memory_space<hbm>>) dst(%arg7 : memref<40x128xi32, #tpu.memory_space<vmem>>)
        tpu.yield
      }) : () -> ()
      %scan3A_29 = arith.constant 0 : i32
      %scan3A_30 = arith.constant 0 : i32
      %scan3A_31 = arith.constant 20 : i32
      %scan3A_32 = arith.addi %scan3A_30, %scan3A_31 : i32
      %scan3A_33 = arith.constant 1 : i32
      scf.for %scan3A_35 = %scan3A_30 to %scan3A_32 step %scan3A_33  : i32 {
        %mul3A_36 = arith.constant 2 : i32
        %mul3A_37 = arith.muli %scan3A_35, %mul3A_36 : i32
        %add3A_38 = arith.constant 0 : i32
        %add3A_39 = arith.addi %mul3A_37, %add3A_38 : i32
        %dma_start3A = arith.constant 0 : i32
        %dma_start3A_40 = tpu.memref_slice %arg7[%add3A_39, %dma_start3A] : memref<40x128xi32, #tpu.memory_space<vmem>> -> memref<1x128xi32, #tpu.memory_space<vmem>>
        %dma_start3A_41 = tpu.memref_squeeze %dma_start3A_40 : memref<1x128xi32, #tpu.memory_space<vmem>> -> memref<128xi32, #tpu.memory_space<vmem>>
        %dma_start3A_42 = arith.constant 0 : i32
        %dma_start3A_43 = arith.constant 0 : i32
        %dma_start3A_44 = tpu.memref_slice %arg4[%dma_start3A_42, %dma_start3A_43] : memref<10000x128xf32, #tpu.memory_space<hbm>> -> memref<10000x128xf32, #tpu.memory_space<hbm>>
        tpu.enqueue_indirect_dma source(%dma_start3A_44 : memref<10000x128xf32, #tpu.memory_space<hbm>>) target(%arg8 : memref<128x128xf32, #tpu.memory_space<vmem>>) offsets(%dma_start3A_41 : memref<128xi32, #tpu.memory_space<vmem>>) semaphore(%arg10 : memref<!tpu.dma_semaphore, #tpu.memory_space<semaphore_mem>>)
        %dma_wait3A = arith.constant 0 : i32
        %dma_wait3A_45 = tpu.memref_slice %arg7[%add3A_39, %dma_wait3A] : memref<40x128xi32, #tpu.memory_space<vmem>> -> memref<1x128xi32, #tpu.memory_space<vmem>>
        %dma_wait3A_46 = tpu.memref_squeeze %dma_wait3A_45 : memref<1x128xi32, #tpu.memory_space<vmem>> -> memref<128xi32, #tpu.memory_space<vmem>>
        %dma_wait3A_47 = arith.constant 0 : i32
        %dma_wait3A_48 = arith.constant 0 : i32
        %dma_wait3A_49 = tpu.memref_slice %arg4[%dma_wait3A_47, %dma_wait3A_48] : memref<10000x128xf32, #tpu.memory_space<hbm>> -> memref<10000x128xf32, #tpu.memory_space<hbm>>
        tpu.wait_indirect_dma semaphore(%arg10 : memref<!tpu.dma_semaphore, #tpu.memory_space<semaphore_mem>>) src(%dma_wait3A_49 : memref<10000x128xf32, #tpu.memory_space<hbm>>) dst(%arg8 : memref<128x128xf32, #tpu.memory_space<vmem>>)
        %dma_start3A_50 = arith.constant 0 : i32
        %dma_start3A_51 = tpu.memref_slice %arg6[%add3A_39, %dma_start3A_50] : memref<40x128xi32, #tpu.memory_space<vmem>> -> memref<1x128xi32, #tpu.memory_space<vmem>>
        %dma_start3A_52 = tpu.memref_squeeze %dma_start3A_51 : memref<1x128xi32, #tpu.memory_space<vmem>> -> memref<128xi32, #tpu.memory_space<vmem>>
        %dma_start3A_53 = arith.constant 0 : i32
        %dma_start3A_54 = arith.constant 0 : i32
        %dma_start3A_55 = tpu.memref_slice %arg14[%dma_start3A_53, %dma_start3A_54] : memref<10240x128xf32, #tpu.memory_space<vmem_shared>> -> memref<10240x128xf32, #tpu.memory_space<vmem_shared>>
        tpu.enqueue_indirect_dma source(%arg8 : memref<128x128xf32, #tpu.memory_space<vmem>>) target(%dma_start3A_55 : memref<10240x128xf32, #tpu.memory_space<vmem_shared>>) offsets(%dma_start3A_52 : memref<128xi32, #tpu.memory_space<vmem>>) semaphore(%arg12 : memref<!tpu.dma_semaphore, #tpu.memory_space<semaphore_mem>>) {add = true}
        %mul3A_56 = arith.constant 2 : i32
        %mul3A_57 = arith.muli %scan3A_35, %mul3A_56 : i32
        %add3A_58 = arith.constant 1 : i32
        %add3A_59 = arith.addi %mul3A_57, %add3A_58 : i32
        %dma_start3A_60 = arith.constant 0 : i32
        %dma_start3A_61 = tpu.memref_slice %arg7[%add3A_59, %dma_start3A_60] : memref<40x128xi32, #tpu.memory_space<vmem>> -> memref<1x128xi32, #tpu.memory_space<vmem>>
        %dma_start3A_62 = tpu.memref_squeeze %dma_start3A_61 : memref<1x128xi32, #tpu.memory_space<vmem>> -> memref<128xi32, #tpu.memory_space<vmem>>
        %dma_start3A_63 = arith.constant 0 : i32
        %dma_start3A_64 = arith.constant 0 : i32
        %dma_start3A_65 = tpu.memref_slice %arg4[%dma_start3A_63, %dma_start3A_64] : memref<10000x128xf32, #tpu.memory_space<hbm>> -> memref<10000x128xf32, #tpu.memory_space<hbm>>
        tpu.enqueue_indirect_dma source(%dma_start3A_65 : memref<10000x128xf32, #tpu.memory_space<hbm>>) target(%arg9 : memref<128x128xf32, #tpu.memory_space<vmem>>) offsets(%dma_start3A_62 : memref<128xi32, #tpu.memory_space<vmem>>) semaphore(%arg11 : memref<!tpu.dma_semaphore, #tpu.memory_space<semaphore_mem>>)
        %dma_wait3A_66 = arith.constant 0 : i32
        %dma_wait3A_67 = tpu.memref_slice %arg7[%add3A_59, %dma_wait3A_66] : memref<40x128xi32, #tpu.memory_space<vmem>> -> memref<1x128xi32, #tpu.memory_space<vmem>>
        %dma_wait3A_68 = tpu.memref_squeeze %dma_wait3A_67 : memref<1x128xi32, #tpu.memory_space<vmem>> -> memref<128xi32, #tpu.memory_space<vmem>>
        %dma_wait3A_69 = arith.constant 0 : i32
        %dma_wait3A_70 = arith.constant 0 : i32
        %dma_wait3A_71 = tpu.memref_slice %arg4[%dma_wait3A_69, %dma_wait3A_70] : memref<10000x128xf32, #tpu.memory_space<hbm>> -> memref<10000x128xf32, #tpu.memory_space<hbm>>
        tpu.wait_indirect_dma semaphore(%arg11 : memref<!tpu.dma_semaphore, #tpu.memory_space<semaphore_mem>>) src(%dma_wait3A_71 : memref<10000x128xf32, #tpu.memory_space<hbm>>) dst(%arg9 : memref<128x128xf32, #tpu.memory_space<vmem>>)
        %dma_start3A_72 = arith.constant 0 : i32
        %dma_start3A_73 = tpu.memref_slice %arg6[%add3A_59, %dma_start3A_72] : memref<40x128xi32, #tpu.memory_space<vmem>> -> memref<1x128xi32, #tpu.memory_space<vmem>>
        %dma_start3A_74 = tpu.memref_squeeze %dma_start3A_73 : memref<1x128xi32, #tpu.memory_space<vmem>> -> memref<128xi32, #tpu.memory_space<vmem>>
        %dma_start3A_75 = arith.constant 0 : i32
        %dma_start3A_76 = arith.constant 0 : i32
        %dma_start3A_77 = tpu.memref_slice %arg14[%dma_start3A_75, %dma_start3A_76] : memref<10240x128xf32, #tpu.memory_space<vmem_shared>> -> memref<10240x128xf32, #tpu.memory_space<vmem_shared>>
        tpu.enqueue_indirect_dma source(%arg9 : memref<128x128xf32, #tpu.memory_space<vmem>>) target(%dma_start3A_77 : memref<10240x128xf32, #tpu.memory_space<vmem_shared>>) offsets(%dma_start3A_74 : memref<128xi32, #tpu.memory_space<vmem>>) semaphore(%arg13 : memref<!tpu.dma_semaphore, #tpu.memory_space<semaphore_mem>>) {add = true}
        %dma_wait3A_78 = arith.constant 0 : i32
        %dma_wait3A_79 = tpu.memref_slice %arg6[%add3A_39, %dma_wait3A_78] : memref<40x128xi32, #tpu.memory_space<vmem>> -> memref<1x128xi32, #tpu.memory_space<vmem>>
        %dma_wait3A_80 = tpu.memref_squeeze %dma_wait3A_79 : memref<1x128xi32, #tpu.memory_space<vmem>> -> memref<128xi32, #tpu.memory_space<vmem>>
        %dma_wait3A_81 = arith.constant 0 : i32
        %dma_wait3A_82 = arith.constant 0 : i32
        %dma_wait3A_83 = tpu.memref_slice %arg14[%dma_wait3A_81, %dma_wait3A_82] : memref<10240x128xf32, #tpu.memory_space<vmem_shared>> -> memref<10240x128xf32, #tpu.memory_space<vmem_shared>>
        tpu.wait_indirect_dma semaphore(%arg12 : memref<!tpu.dma_semaphore, #tpu.memory_space<semaphore_mem>>) src(%arg8 : memref<128x128xf32, #tpu.memory_space<vmem>>) dst(%dma_wait3A_83 : memref<10240x128xf32, #tpu.memory_space<vmem_shared>>)
        %dma_wait3A_84 = arith.constant 0 : i32
        %dma_wait3A_85 = tpu.memref_slice %arg6[%add3A_59, %dma_wait3A_84] : memref<40x128xi32, #tpu.memory_space<vmem>> -> memref<1x128xi32, #tpu.memory_space<vmem>>
        %dma_wait3A_86 = tpu.memref_squeeze %dma_wait3A_85 : memref<1x128xi32, #tpu.memory_space<vmem>> -> memref<128xi32, #tpu.memory_space<vmem>>
        %dma_wait3A_87 = arith.constant 0 : i32
        %dma_wait3A_88 = arith.constant 0 : i32
        %dma_wait3A_89 = tpu.memref_slice %arg14[%dma_wait3A_87, %dma_wait3A_88] : memref<10240x128xf32, #tpu.memory_space<vmem_shared>> -> memref<10240x128xf32, #tpu.memory_space<vmem_shared>>
        tpu.wait_indirect_dma semaphore(%arg13 : memref<!tpu.dma_semaphore, #tpu.memory_space<semaphore_mem>>) src(%arg9 : memref<128x128xf32, #tpu.memory_space<vmem>>) dst(%dma_wait3A_89 : memref<10240x128xf32, #tpu.memory_space<vmem_shared>>)
      }
      %scan3A_34 = arith.constant 20 : i32
    } else {
    }
    %barrier3A_18 = arith.constant 0 : index
    tpu.barrier barrier_id(%barrier3A_18)
    %scan3A_19 = arith.constant 0 : i32
    %scan3A_20 = arith.constant 0 : i32
    %scan3A_21 = arith.constant 5 : i32
    %scan3A_22 = arith.addi %scan3A_20, %scan3A_21 : i32
    %scan3A_23 = arith.constant 1 : i32
    scf.for %scan3A_25 = %scan3A_20 to %scan3A_22 step %scan3A_23  : i32 {
      %mul3A = arith.constant 640 : i32
      %mul3A_26 = arith.muli %arg1, %mul3A : i32
      %mul3A_27 = arith.constant 128 : i32
      %mul3A_28 = arith.muli %scan3A_25, %mul3A_27 : i32
      %add3A = arith.addi %mul3A_26, %mul3A_28 : i32
      "tpu.region"() ({
        %run_scoped3A = tpu.sem_alloc : memref<!tpu.dma_semaphore, #tpu.memory_space<semaphore_mem>>
        %dma_start3A = arith.constant 0 : i32
        %dma_start3A_29 = tpu.memref_slice %arg14[%add3A, %dma_start3A] : memref<10240x128xf32, #tpu.memory_space<vmem_shared>> -> memref<128x128xf32, #tpu.memory_space<vmem_shared>>
        %dma_start3A_30 = arith.constant 0 : i32
        %dma_start3A_31 = tpu.memref_slice %arg14[%add3A, %dma_start3A_30] : memref<10240x128xf32, #tpu.memory_space<vmem_shared>> -> memref<128x128xf32, #tpu.memory_space<vmem_shared>>
        tpu.enqueue_dma source(%dma_start3A_31 : memref<128x128xf32, #tpu.memory_space<vmem_shared>>) target(%arg8 : memref<128x128xf32, #tpu.memory_space<vmem>>) target_semaphore(%run_scoped3A : memref<!tpu.dma_semaphore, #tpu.memory_space<semaphore_mem>>)
        %dma_wait3A = arith.constant 0 : i32
        %dma_wait3A_32 = tpu.memref_slice %arg14[%add3A, %dma_wait3A] : memref<10240x128xf32, #tpu.memory_space<vmem_shared>> -> memref<128x128xf32, #tpu.memory_space<vmem_shared>>
        %dma_wait3A_33 = arith.constant 0 : i32
        %dma_wait3A_34 = tpu.memref_slice %arg14[%add3A, %dma_wait3A_33] : memref<10240x128xf32, #tpu.memory_space<vmem_shared>> -> memref<128x128xf32, #tpu.memory_space<vmem_shared>>
        tpu.wait_dma2 semaphore(%run_scoped3A : memref<!tpu.dma_semaphore, #tpu.memory_space<semaphore_mem>>) src(%dma_wait3A_34 : memref<128x128xf32, #tpu.memory_space<vmem_shared>>) dst(%arg8 : memref<128x128xf32, #tpu.memory_space<vmem>>)
        tpu.yield
      }) : () -> ()
      "tpu.region"() ({
        %run_scoped3A = tpu.sem_alloc : memref<!tpu.dma_semaphore, #tpu.memory_space<semaphore_mem>>
        %dma_start3A = arith.constant 0 : i32
        %dma_start3A_29 = tpu.memref_slice %arg5[%arg0, %add3A, %dma_start3A] : memref<2x10240x128xf32, #tpu.memory_space<hbm>> -> memref<1x128x128xf32, #tpu.memory_space<hbm>>
        %dma_start3A_30 = tpu.memref_squeeze %dma_start3A_29 : memref<1x128x128xf32, #tpu.memory_space<hbm>> -> memref<128x128xf32, #tpu.memory_space<hbm>>
        %dma_start3A_31 = arith.constant 0 : i32
        %dma_start3A_32 = tpu.memref_slice %arg5[%arg0, %add3A, %dma_start3A_31] : memref<2x10240x128xf32, #tpu.memory_space<hbm>> -> memref<1x128x128xf32, #tpu.memory_space<hbm>>
        %dma_start3A_33 = tpu.memref_squeeze %dma_start3A_32 : memref<1x128x128xf32, #tpu.memory_space<hbm>> -> memref<128x128xf32, #tpu.memory_space<hbm>>
        tpu.enqueue_dma source(%arg8 : memref<128x128xf32, #tpu.memory_space<vmem>>) target(%dma_start3A_33 : memref<128x128xf32, #tpu.memory_space<hbm>>) target_semaphore(%run_scoped3A : memref<!tpu.dma_semaphore, #tpu.memory_space<semaphore_mem>>)
        %dma_wait3A = arith.constant 0 : i32
        %dma_wait3A_34 = tpu.memref_slice %arg5[%arg0, %add3A, %dma_wait3A] : memref<2x10240x128xf32, #tpu.memory_space<hbm>> -> memref<1x128x128xf32, #tpu.memory_space<hbm>>
        %dma_wait3A_35 = tpu.memref_squeeze %dma_wait3A_34 : memref<1x128x128xf32, #tpu.memory_space<hbm>> -> memref<128x128xf32, #tpu.memory_space<hbm>>
        %dma_wait3A_36 = arith.constant 0 : i32
        %dma_wait3A_37 = tpu.memref_slice %arg5[%arg0, %add3A, %dma_wait3A_36] : memref<2x10240x128xf32, #tpu.memory_space<hbm>> -> memref<1x128x128xf32, #tpu.memory_space<hbm>>
        %dma_wait3A_38 = tpu.memref_squeeze %dma_wait3A_37 : memref<1x128x128xf32, #tpu.memory_space<hbm>> -> memref<128x128xf32, #tpu.memory_space<hbm>>
        tpu.wait_dma2 semaphore(%run_scoped3A : memref<!tpu.dma_semaphore, #tpu.memory_space<semaphore_mem>>) src(%arg8 : memref<128x128xf32, #tpu.memory_space<vmem>>) dst(%dma_wait3A_38 : memref<128x128xf32, #tpu.memory_space<hbm>>)
        tpu.yield
      }) : () -> ()
    }
    %scan3A_24 = arith.constant 5 : i32
    return
  }
}

module attributes {stable_mosaic.version = 14 : i64} {
  func.func @eidx_body(%arg0: memref<2500x128xi32, #tpu.memory_space<vmem>>, %arg1: memref<2500x128xi32, #tpu.memory_space<vmem>>, %arg2: memref<2500x128xi32, #tpu.memory_space<vmem>>) attributes {dimension_semantics = [], scalar_prefetch = 0 : i64, scratch_operands = 0 : i64, tpu.core_type = #tpu.core_type<tc>} {
    %get3A = arith.constant 0 : index
    %get3A_0 = arith.constant 0 : index
    %get3A_1 = vector.load %arg0[%get3A, %get3A_0] : memref<2500x128xi32, #tpu.memory_space<vmem>>, vector<2500x128xi32>
    %get3A_2 = arith.constant 0 : index
    %get3A_3 = arith.constant 0 : index
    %get3A_4 = vector.load %arg1[%get3A_2, %get3A_3] : memref<2500x128xi32, #tpu.memory_space<vmem>>, vector<2500x128xi32>
    %eq3A = arith.cmpi eq, %get3A_1, %get3A_4 : vector<2500x128xi32>
    %rem3A = arith.constant 232 : i32
    %rem3A_5 = vector.broadcast %rem3A : i32 to vector<2500x128xi32>
    %rem3A_6 = arith.remsi %get3A_1, %rem3A_5 : vector<2500x128xi32>
    %add3A = arith.constant 10000 : i32
    %add3A_7 = vector.broadcast %add3A : i32 to vector<2500x128xi32>
    %add3A_8 = arith.addi %add3A_7, %rem3A_6 : vector<2500x128xi32>
    %select_n3A = arith.select %eq3A, %add3A_8, %get3A_1 : vector<2500x128xi1>, vector<2500x128xi32>
    %swap3A = arith.constant 0 : index
    %swap3A_9 = arith.constant 0 : index
    %swap3A_10 = vector.load %arg2[%swap3A, %swap3A_9] : memref<2500x128xi32, #tpu.memory_space<vmem>>, vector<2500x128xi32>
    tpu.vector_store %arg2[%swap3A, %swap3A_9], %select_n3A {strides = array<i32>} : memref<2500x128xi32, #tpu.memory_space<vmem>>, vector<2500x128xi32>,
    return
  }
}

module attributes {stable_mosaic.version = 14 : i64} {
  func.func @_y_body(%arg0: i32, %arg1: memref<1000x128xf32, #tpu.memory_space<vmem>>, %arg2: memref<1000x2xf32, #tpu.memory_space<vmem>>, %arg3: memref<1000x128xf32, #tpu.memory_space<vmem>>) attributes {dimension_semantics = [#tpu.dimension_semantics<arbitrary>], iteration_bounds = array<i64: 10>, scalar_prefetch = 0 : i64, scratch_operands = 0 : i64, tpu.core_type = #tpu.core_type<tc>, window_params = [{transform_indices = @transform_0, window_bounds = array<i64: 1000, 128>}, {transform_indices = @transform_1, window_bounds = array<i64: 1000, 2>}, {transform_indices = @transform_2, window_bounds = array<i64: 1000, 128>}]} {
    %get3A = arith.constant 0 : index
    %get3A_0 = arith.constant 0 : index
    %get3A_1 = vector.load %arg2[%get3A, %get3A_0] : memref<1000x2xf32, #tpu.memory_space<vmem>>, vector<1000x1xf32>
    %get3A_2 = vector.shape_cast %get3A_1 : vector<1000x1xf32> to vector<1000xf32>
    %get3A_3 = arith.constant 0 : index
    %get3A_4 = arith.constant 1 : index
    %get3A_5 = vector.load %arg2[%get3A_3, %get3A_4] : memref<1000x2xf32, #tpu.memory_space<vmem>>, vector<1000x1xf32>
    %get3A_6 = vector.shape_cast %get3A_5 : vector<1000x1xf32> to vector<1000xf32>
    %add3A = arith.addf %get3A_2, %get3A_6 : vector<1000xf32>
    %add3A_7 = arith.constant 1.000000e+00 : f32
    %add3A_8 = vector.broadcast %add3A_7 : f32 to vector<1000xf32>
    %add3A_9 = arith.addf %add3A, %add3A_8 : vector<1000xf32>
    %rsqrt3A = math.rsqrt %add3A_9 : vector<1000xf32>
    %get3A_10 = arith.constant 0 : index
    %get3A_11 = arith.constant 0 : index
    %get3A_12 = vector.load %arg1[%get3A_10, %get3A_11] : memref<1000x128xf32, #tpu.memory_space<vmem>>, vector<1000x128xf32>
    %broadcast_in_dim3A = vector.shape_cast %rsqrt3A : vector<1000xf32> to vector<1000x1xf32>
    %mul3A = vector.broadcast %broadcast_in_dim3A : vector<1000x1xf32> to vector<1000x128xf32>
    %mul3A_13 = arith.mulf %get3A_12, %mul3A : vector<1000x128xf32>
    %swap3A = arith.constant 0 : index
    %swap3A_14 = arith.constant 0 : index
    %swap3A_15 = vector.load %arg3[%swap3A, %swap3A_14] : memref<1000x128xf32, #tpu.memory_space<vmem>>, vector<1000x128xf32>
    tpu.vector_store %arg3[%swap3A, %swap3A_14], %mul3A_13 {strides = array<i32>} : memref<1000x128xf32, #tpu.memory_space<vmem>>, vector<1000x128xf32>,
    return
  }
  func.func @transform_0(%arg0: i32) -> (i32, i32) {
    %c0_i32 = arith.constant 0 : i32
    %c0_i32_0 = arith.constant 0 : i32
    return %arg0, %c0_i32 : i32, i32
  }
  func.func @transform_1(%arg0: i32) -> (i32, i32) {
    %c0_i32 = arith.constant 0 : i32
    %c0_i32_0 = arith.constant 0 : i32
    return %arg0, %c0_i32 : i32, i32
  }
  func.func @transform_2(%arg0: i32) -> (i32, i32) {
    %c0_i32 = arith.constant 0 : i32
    %c0_i32_0 = arith.constant 0 : i32
    return %arg0, %c0_i32 : i32, i32
  }
}

module attributes {stable_mosaic.version = 14 : i64} {
  func.func @_m_body(%arg0: i32, %arg1: memref<2x1000x128xf32, #tpu.memory_space<vmem>>, %arg2: memref<1000x128xf32, #tpu.memory_space<vmem>>, %arg3: memref<1000x2xf32, #tpu.memory_space<vmem>>, %arg4: memref<128x128xf32, #tpu.memory_space<vmem>>, %arg5: memref<1x128xf32, #tpu.memory_space<vmem>>, %arg6: memref<1000x128xf32, #tpu.memory_space<vmem>>, %arg7: memref<8x128xf32, #tpu.memory_space<vmem>>) attributes {dimension_semantics = [#tpu.dimension_semantics<arbitrary>], iteration_bounds = array<i64: 10>, scalar_prefetch = 0 : i64, scratch_operands = 0 : i64, tpu.core_type = #tpu.core_type<tc>, window_params = [{transform_indices = @transform_0, window_bounds = array<i64: 2, 1000, 128>}, {transform_indices = @transform_1, window_bounds = array<i64: 1000, 128>}, {transform_indices = @transform_2, window_bounds = array<i64: 1000, 2>}, {pipeline_mode = #tpu.pipeline_mode<synchronous>, transform_indices = @transform_3, window_bounds = array<i64: 128, 128>}, {pipeline_mode = #tpu.pipeline_mode<synchronous>, transform_indices = @transform_4, window_bounds = array<i64: 1, 128>}, {transform_indices = @transform_5, window_bounds = array<i64: 1000, 128>}, {pipeline_mode = #tpu.pipeline_mode<synchronous>, transform_indices = @transform_6, window_bounds = array<i64: 8, 128>}]} {
    %get3A = arith.constant 0 : index
    %get3A_0 = arith.constant 0 : index
    %get3A_1 = vector.load %arg3[%get3A, %get3A_0] : memref<1000x2xf32, #tpu.memory_space<vmem>>, vector<1000x1xf32>
    %get3A_2 = vector.shape_cast %get3A_1 : vector<1000x1xf32> to vector<1000xf32>
    %get3A_3 = arith.constant 0 : index
    %get3A_4 = arith.constant 1 : index
    %get3A_5 = vector.load %arg3[%get3A_3, %get3A_4] : memref<1000x2xf32, #tpu.memory_space<vmem>>, vector<1000x1xf32>
    %get3A_6 = vector.shape_cast %get3A_5 : vector<1000x1xf32> to vector<1000xf32>
    %add3A = arith.addf %get3A_2, %get3A_6 : vector<1000xf32>
    %add3A_7 = arith.constant 1.000000e+00 : f32
    %add3A_8 = vector.broadcast %add3A_7 : f32 to vector<1000xf32>
    %add3A_9 = arith.addf %add3A, %add3A_8 : vector<1000xf32>
    %rsqrt3A = math.rsqrt %add3A_9 : vector<1000xf32>
    %get3A_10 = arith.constant 0 : index
    %get3A_11 = arith.constant 0 : index
    %get3A_12 = arith.constant 0 : index
    %get3A_13 = vector.load %arg1[%get3A_10, %get3A_11, %get3A_12] : memref<2x1000x128xf32, #tpu.memory_space<vmem>>, vector<1x1000x128xf32>
    %get3A_14 = vector.shape_cast %get3A_13 : vector<1x1000x128xf32> to vector<1000x128xf32>
    %get3A_15 = arith.constant 1 : index
    %get3A_16 = arith.constant 0 : index
    %get3A_17 = arith.constant 0 : index
    %get3A_18 = vector.load %arg1[%get3A_15, %get3A_16, %get3A_17] : memref<2x1000x128xf32, #tpu.memory_space<vmem>>, vector<1x1000x128xf32>
    %get3A_19 = vector.shape_cast %get3A_18 : vector<1x1000x128xf32> to vector<1000x128xf32>
    %add3A_20 = arith.addf %get3A_14, %get3A_19 : vector<1000x128xf32>
    %get3A_21 = arith.constant 0 : index
    %get3A_22 = arith.constant 0 : index
    %get3A_23 = vector.load %arg2[%get3A_21, %get3A_22] : memref<1000x128xf32, #tpu.memory_space<vmem>>, vector<1000x128xf32>
    %add3A_24 = arith.addf %add3A_20, %get3A_23 : vector<1000x128xf32>
    %broadcast_in_dim3A = vector.shape_cast %rsqrt3A : vector<1000xf32> to vector<1000x1xf32>
    %mul3A = vector.broadcast %broadcast_in_dim3A : vector<1000x1xf32> to vector<1000x128xf32>
    %mul3A_25 = arith.mulf %add3A_24, %mul3A : vector<1000x128xf32>
    %get3A_26 = arith.constant 0 : index
    %get3A_27 = arith.constant 0 : index
    %get3A_28 = vector.load %arg4[%get3A_26, %get3A_27] : memref<128x128xf32, #tpu.memory_space<vmem>>, vector<128x128xf32>
    %dot_general3A = arith.constant dense<0.000000e+00> : vector<1000x128xf32>
    %dot_general3A_29 = tpu.matmul %mul3A_25, %get3A_28, %dot_general3A {dimension_numbers = #tpu.dot_dimension_numbers<[1], [1], [0], [0], [0, 0, 1, 0], [], []>, transpose_lhs_hint = false} : vector<1000x128xf32>, vector<128x128xf32>, vector<1000x128xf32> -> vector<1000x128xf32>
    %get3A_30 = arith.constant 0 : index
    %get3A_31 = arith.constant 0 : index
    %get3A_32 = vector.load %arg5[%get3A_30, %get3A_31] : memref<1x128xf32, #tpu.memory_space<vmem>>, vector<1x128xf32>
    %add3A_33 = vector.broadcast %get3A_32 : vector<1x128xf32> to vector<1000x128xf32>
    %add3A_34 = arith.addf %dot_general3A_29, %add3A_33 : vector<1000x128xf32>
    %max3A = arith.constant 0.000000e+00 : f32
    %max3A_35 = vector.broadcast %max3A : f32 to vector<1000x128xf32>
    %max3A_36 = arith.maximumf %add3A_34, %max3A_35 : vector<1000x128xf32>
    %swap3A = arith.constant 0 : index
    %swap3A_37 = arith.constant 0 : index
    %swap3A_38 = vector.load %arg6[%swap3A, %swap3A_37] : memref<1000x128xf32, #tpu.memory_space<vmem>>, vector<1000x128xf32>
    tpu.vector_store %arg6[%swap3A, %swap3A_37], %max3A_36 {strides = array<i32>} : memref<1000x128xf32, #tpu.memory_space<vmem>>, vector<1000x128xf32>,
    %eq3A = arith.constant 0 : i32
    %eq3A_39 = arith.cmpi eq, %arg0, %eq3A : i32
    %convert_element_type3A = arith.extui %eq3A_39 : i1 to i32
    %cond3A = arith.constant 0 : i32
    %cond3A_40 = arith.cmpi ne, %convert_element_type3A, %cond3A : i32
    scf.if %cond3A_40 {
      %broadcast_in_dim3A_61 = arith.constant 0.000000e+00 : f32
      %broadcast_in_dim3A_62 = vector.broadcast %broadcast_in_dim3A_61 : f32 to vector<8x128xf32>
      %swap3A_63 = arith.constant 0 : index
      %swap3A_64 = arith.constant 0 : index
      %swap3A_65 = vector.load %arg7[%swap3A_63, %swap3A_64] : memref<8x128xf32, #tpu.memory_space<vmem>>, vector<8x128xf32>
      tpu.vector_store %arg7[%swap3A_63, %swap3A_64], %broadcast_in_dim3A_62 {strides = array<i32>} : memref<8x128xf32, #tpu.memory_space<vmem>>, vector<8x128xf32>,
    } else {
    }
    %get3A_41 = arith.constant 0 : index
    %get3A_42 = arith.constant 0 : index
    %get3A_43 = vector.load %arg7[%get3A_41, %get3A_42] : memref<8x128xf32, #tpu.memory_space<vmem>>, vector<1x128xf32>
    %reduce_sum3A = arith.constant dense<0.000000e+00> : vector<128xf32>
    %reduce_sum3A_44 = vector.multi_reduction <add>, %max3A_36, %reduce_sum3A [0] : vector<1000x128xf32> to vector<128xf32>
    %broadcast_in_dim3A_45 = vector.shape_cast %reduce_sum3A_44 : vector<128xf32> to vector<1x128xf32>
    %add3A_46 = arith.addf %get3A_43, %broadcast_in_dim3A_45 : vector<1x128xf32>
    %swap3A_47 = arith.constant 0 : index
    %swap3A_48 = arith.constant 0 : index
    %swap3A_49 = vector.load %arg7[%swap3A_47, %swap3A_48] : memref<8x128xf32, #tpu.memory_space<vmem>>, vector<1x128xf32>
    tpu.vector_store %arg7[%swap3A_47, %swap3A_48], %add3A_46 {strides = array<i32>} : memref<8x128xf32, #tpu.memory_space<vmem>>, vector<1x128xf32>,
    %get3A_50 = arith.constant 1 : index
    %get3A_51 = arith.constant 0 : index
    %get3A_52 = vector.load %arg7[%get3A_50, %get3A_51] : memref<8x128xf32, #tpu.memory_space<vmem>>, vector<1x128xf32>
    %mul3A_53 = arith.mulf %max3A_36, %max3A_36 : vector<1000x128xf32>
    %reduce_sum3A_54 = arith.constant dense<0.000000e+00> : vector<128xf32>
    %reduce_sum3A_55 = vector.multi_reduction <add>, %mul3A_53, %reduce_sum3A_54 [0] : vector<1000x128xf32> to vector<128xf32>
    %broadcast_in_dim3A_56 = vector.shape_cast %reduce_sum3A_55 : vector<128xf32> to vector<1x128xf32>
    %add3A_57 = arith.addf %get3A_52, %broadcast_in_dim3A_56 : vector<1x128xf32>
    %swap3A_58 = arith.constant 1 : index
    %swap3A_59 = arith.constant 0 : index
    %swap3A_60 = vector.load %arg7[%swap3A_58, %swap3A_59] : memref<8x128xf32, #tpu.memory_space<vmem>>, vector<1x128xf32>
    tpu.vector_store %arg7[%swap3A_58, %swap3A_59], %add3A_57 {strides = array<i32>} : memref<8x128xf32, #tpu.memory_space<vmem>>, vector<1x128xf32>,
    return
  }
  func.func @transform_0(%arg0: i32) -> (i32, i32, i32) {
    %c0_i32 = arith.constant 0 : i32
    %c0_i32_0 = arith.constant 0 : i32
    %c0_i32_1 = arith.constant 0 : i32
    return %c0_i32, %arg0, %c0_i32_0 : i32, i32, i32
  }
  func.func @transform_1(%arg0: i32) -> (i32, i32) {
    %c0_i32 = arith.constant 0 : i32
    %c0_i32_0 = arith.constant 0 : i32
    return %arg0, %c0_i32 : i32, i32
  }
  func.func @transform_2(%arg0: i32) -> (i32, i32) {
    %c0_i32 = arith.constant 0 : i32
    %c0_i32_0 = arith.constant 0 : i32
    return %arg0, %c0_i32 : i32, i32
  }
  func.func @transform_3(%arg0: i32) -> (i32, i32) {
    %c0_i32 = arith.constant 0 : i32
    %c0_i32_0 = arith.constant 0 : i32
    %c0_i32_1 = arith.constant 0 : i32
    return %c0_i32, %c0_i32_0 : i32, i32
  }
  func.func @transform_4(%arg0: i32) -> (i32, i32) {
    %c0_i32 = arith.constant 0 : i32
    %c0_i32_0 = arith.constant 0 : i32
    %c0_i32_1 = arith.constant 0 : i32
    return %c0_i32, %c0_i32_0 : i32, i32
  }
  func.func @transform_5(%arg0: i32) -> (i32, i32) {
    %c0_i32 = arith.constant 0 : i32
    %c0_i32_0 = arith.constant 0 : i32
    return %arg0, %c0_i32 : i32, i32
  }
  func.func @transform_6(%arg0: i32) -> (i32, i32) {
    %c0_i32 = arith.constant 0 : i32
    %c0_i32_0 = arith.constant 0 : i32
    %c0_i32_1 = arith.constant 0 : i32
    return %c0_i32, %c0_i32_0 : i32, i32
  }
}

module attributes {stable_mosaic.version = 14 : i64} {
  func.func @bn_body(%arg0: i32, %arg1: memref<1000x128xf32, #tpu.memory_space<vmem>>, %arg2: memref<8x128xf32, #tpu.memory_space<vmem>>, %arg3: memref<1x128xf32, #tpu.memory_space<vmem>>, %arg4: memref<1x128xf32, #tpu.memory_space<vmem>>, %arg5: memref<1000x128xf32, #tpu.memory_space<vmem>>) attributes {dimension_semantics = [#tpu.dimension_semantics<arbitrary>], iteration_bounds = array<i64: 10>, scalar_prefetch = 0 : i64, scratch_operands = 0 : i64, tpu.core_type = #tpu.core_type<tc>, window_params = [{transform_indices = @transform_0, window_bounds = array<i64: 1000, 128>}, {pipeline_mode = #tpu.pipeline_mode<synchronous>, transform_indices = @transform_1, window_bounds = array<i64: 8, 128>}, {pipeline_mode = #tpu.pipeline_mode<synchronous>, transform_indices = @transform_2, window_bounds = array<i64: 1, 128>}, {pipeline_mode = #tpu.pipeline_mode<synchronous>, transform_indices = @transform_3, window_bounds = array<i64: 1, 128>}, {transform_indices = @transform_4, window_bounds = array<i64: 1000, 128>}]} {
    %get3A = arith.constant 0 : index
    %get3A_0 = arith.constant 0 : index
    %get3A_1 = vector.load %arg2[%get3A, %get3A_0] : memref<8x128xf32, #tpu.memory_space<vmem>>, vector<1x128xf32>
    %mul3A = arith.constant 9.99999974E-5 : f32
    %mul3A_2 = vector.broadcast %mul3A : f32 to vector<1x128xf32>
    %mul3A_3 = arith.mulf %get3A_1, %mul3A_2 : vector<1x128xf32>
    %get3A_4 = arith.constant 1 : index
    %get3A_5 = arith.constant 0 : index
    %get3A_6 = vector.load %arg2[%get3A_4, %get3A_5] : memref<8x128xf32, #tpu.memory_space<vmem>>, vector<1x128xf32>
    %mul3A_7 = arith.constant 9.99999974E-5 : f32
    %mul3A_8 = vector.broadcast %mul3A_7 : f32 to vector<1x128xf32>
    %mul3A_9 = arith.mulf %get3A_6, %mul3A_8 : vector<1x128xf32>
    %mul3A_10 = arith.mulf %mul3A_3, %mul3A_3 : vector<1x128xf32>
    %sub3A = arith.subf %mul3A_9, %mul3A_10 : vector<1x128xf32>
    %add3A = arith.constant 9.99999974E-6 : f32
    %add3A_11 = vector.broadcast %add3A : f32 to vector<1x128xf32>
    %add3A_12 = arith.addf %sub3A, %add3A_11 : vector<1x128xf32>
    %rsqrt3A = math.rsqrt %add3A_12 : vector<1x128xf32>
    %get3A_13 = arith.constant 0 : index
    %get3A_14 = arith.constant 0 : index
    %get3A_15 = vector.load %arg1[%get3A_13, %get3A_14] : memref<1000x128xf32, #tpu.memory_space<vmem>>, vector<1000x128xf32>
    %sub3A_16 = vector.broadcast %mul3A_3 : vector<1x128xf32> to vector<1000x128xf32>
    %sub3A_17 = arith.subf %get3A_15, %sub3A_16 : vector<1000x128xf32>
    %mul3A_18 = vector.broadcast %rsqrt3A : vector<1x128xf32> to vector<1000x128xf32>
    %mul3A_19 = arith.mulf %sub3A_17, %mul3A_18 : vector<1000x128xf32>
    %get3A_20 = arith.constant 0 : index
    %get3A_21 = arith.constant 0 : index
    %get3A_22 = vector.load %arg3[%get3A_20, %get3A_21] : memref<1x128xf32, #tpu.memory_space<vmem>>, vector<1x128xf32>
    %mul3A_23 = vector.broadcast %get3A_22 : vector<1x128xf32> to vector<1000x128xf32>
    %mul3A_24 = arith.mulf %mul3A_19, %mul3A_23 : vector<1000x128xf32>
    %get3A_25 = arith.constant 0 : index
    %get3A_26 = arith.constant 0 : index
    %get3A_27 = vector.load %arg4[%get3A_25, %get3A_26] : memref<1x128xf32, #tpu.memory_space<vmem>>, vector<1x128xf32>
    %add3A_28 = vector.broadcast %get3A_27 : vector<1x128xf32> to vector<1000x128xf32>
    %add3A_29 = arith.addf %mul3A_24, %add3A_28 : vector<1000x128xf32>
    %swap3A = arith.constant 0 : index
    %swap3A_30 = arith.constant 0 : index
    %swap3A_31 = vector.load %arg5[%swap3A, %swap3A_30] : memref<1000x128xf32, #tpu.memory_space<vmem>>, vector<1000x128xf32>
    tpu.vector_store %arg5[%swap3A, %swap3A_30], %add3A_29 {strides = array<i32>} : memref<1000x128xf32, #tpu.memory_space<vmem>>, vector<1000x128xf32>,
    return
  }
  func.func @transform_0(%arg0: i32) -> (i32, i32) {
    %c0_i32 = arith.constant 0 : i32
    %c0_i32_0 = arith.constant 0 : i32
    return %arg0, %c0_i32 : i32, i32
  }
  func.func @transform_1(%arg0: i32) -> (i32, i32) {
    %c0_i32 = arith.constant 0 : i32
    %c0_i32_0 = arith.constant 0 : i32
    %c0_i32_1 = arith.constant 0 : i32
    return %c0_i32, %c0_i32_0 : i32, i32
  }
  func.func @transform_2(%arg0: i32) -> (i32, i32) {
    %c0_i32 = arith.constant 0 : i32
    %c0_i32_0 = arith.constant 0 : i32
    %c0_i32_1 = arith.constant 0 : i32
    return %c0_i32, %c0_i32_0 : i32, i32
  }
  func.func @transform_3(%arg0: i32) -> (i32, i32) {
    %c0_i32 = arith.constant 0 : i32
    %c0_i32_0 = arith.constant 0 : i32
    %c0_i32_1 = arith.constant 0 : i32
    return %c0_i32, %c0_i32_0 : i32, i32
  }
  func.func @transform_4(%arg0: i32) -> (i32, i32) {
    %c0_i32 = arith.constant 0 : i32
    %c0_i32_0 = arith.constant 0 : i32
    return %arg0, %c0_i32 : i32, i32
  }
}

</mosaic_0001>

<sc_bundles>
// kernel: kernel.11.cloned.1.call-start
scs
__scs_entry_jumppad:
0x0: {  	(pc) =	sbr.rel $0x88, $3  }
0x1: {  	(tag) =	ssettag $0x0;
	lr =	simm.s32 $0x1  }
0x2: {  	[smem:$0x3F9B] =	sst lr;
	_ =	strace $0xD0000000  }
0x3: {  	_ = 	snop  }
0x4: {  	_ = 	snop  }
0x5: {  	_ = 	snop  }
0x6: {  	_ = 	snop  }
0x7: {  	_ = 	snop  }
__scs_overlays_trampoline_lowered:
0x8: {  	[smem:$0x3FAA] =	sst s0  }
0x9: {  	[smem:$0x3FAB] =	sst s1  }
0xa: {  	[smem:$0x3FAC] =	sst s2  }
0xb: {  	[smem:$0x3FAD] =	sst s3  }
0xc: {  	[smem:$0x3FAE] =	sst s4  }
0xd: {  	[smem:$0x3FAF] =	sst s5  }
0xe: {  	[smem:$0x3FB0] =	sst s6  }
0xf: {  	[smem:$0x3FB1] =	sst s7  }
0x10: {  	[smem:$0x3FB2] =	sst s8  }
0x11: {  	[smem:$0x3FB3] =	sst s9;
	s0 =	simm.s32 @!p0 $0x0  }
0x12: {  	s1 =	sld [smem:$0x3F99];
	s0 =	simm.s32 @p0 $0x1  }
0x13: {  	[smem:$0x3FB4] =	sst s0;
	s0 =	simm.s32 @!p1 $0x0  }
0x14: {  	s2 =	sld [smem:$0x3F98];
	s0 =	simm.s32 @p1 $0x1  }
0x15: {  	[smem:$0x3FB5] =	sst s0;
	s0 =	simm.s32 @!p2 $0x0  }
0x16: {  	s3 =	sld [smem:$0x3FDB];
	s0 =	simm.s32 @p2 $0x1  }
0x17: {  	s4 =	simm.s32 $0x1BF5;
	[smem:$0x3FB7] =	sst s0  }
0x18: {  	s0 =	sld [smem:$0x3F9A];
	_ =	swait.ge [sflag:s4], $0x0  }
0x19: {  	s7 =	sld [smem:$0x3F9B]  }
0x1a: {  	s8 =	sadd.s32 $0xFFFFE003, lr  }
0x1b: {  	s9 =	sadd.s32 $0xFFFFFEF7, lr;
	s5 =	simm.s32 $0xFFFFFFFF;
	p2 =	slt.u32 s8, $0xFFFFF086  }
0x1c: {  	p1 =	slt.u32 s9, $0xF7A;
	s5 =	simm.s32 @!p2 $0x0  }
0x1d: {  	s5 =	simm.s32 @p1 $0x1;
	p0 =	seq.s32 s7, s2  }
0x1e: {  	s7 =	smul.u32 @!p0 $0xF7A, s2;
	p2 =	seq.s32 @!p0 s5, $0x0  }
0x1f: {  	s9 =	smul.u32 $0xF7A, s1;
	s8 =	simm.s32 @!p0 $0x1BF5;
	p2 =	por !p2, p0  }
0x20: {  	[sflag:s8] =	ssyncset.s32 @!p0 $0xFFFFF086;
	s6 =	sadd.s32 @!p0 s3, s7;
	s7 =	simm.s32 @!p0 $0x108  }
0x21: {  	s3 =	sadd.s32 s3, s9;
	s6 =	sadd.s32 @!p0 $0x88, s6;
	s7 =	simm.s32 @p2 $0x1082  }
0x22: {  	[simem:s7], [sflag:s8] =	dma.local @!p0 [hbm:s6], $0xF7A  }
0x23: {  	s9 =	sor.u32 $0xD0000000, s2;
	s6 =	simm.s32 $0x108;
	_ =	swait.ge @!p0 [sflag:s8], $0x0  }
0x24: {  	s3 =	sadd.s32 $0x88, s3;
	s6 =	simm.s32 @!p1 $0x1082;
	[sflag:s4] =	ssyncset.s32 $0xFFFFF086  }
0x25: {  	[simem:s6], [sflag:s4] =	dma.local [hbm:s3], $0xF7A  }
0x26: {  	[smem:$0x3F9B] =	sst s1;
	(tag) =	ssettag s2;
	_ =	strace s9  }
0x27: {  	s1 =	sld [smem:$0x3FAB]  }
0x28: {  	s2 =	sld [smem:$0x3FAC]  }
0x29: {  	s4 =	sld [smem:$0x3FAE]  }
0x2a: {  	p0 =	seq.s32 s5, $0x0;
	s5 =	sld [smem:$0x3FAF]  }
0x2b: {  	s6 =	sld [smem:$0x3FB0]  }
0x2c: {  	s7 =	sld [smem:$0x3FB1]  }
0x2d: {  	s3 =	simm.s32 $0x108;
	s8 =	sld [smem:$0x3FB2]  }
0x2e: {  	s3 =	simm.s32 @!p0 $0x1082;
	s9 =	sld [smem:$0x3FB3]  }
0x2f: {  	lr =	sadd.s32 s0, s3;
	s0 =	sld [smem:$0x3FAA]  }
0x30: {  	s3 =	sld [smem:$0x3FAD]  }
0x31: {  	[smem:$0x3FB6] =	sst s10  }
0x32: {  	s10 =	sld [smem:$0x3FB4];
	_ =	sdelay $0x3  }
0x33: {  	p0 =	seq.s32 s10, $0x1;
	s10 =	sld [smem:$0x3FB6];
	_ =	sdelay $0x3  }
0x34: {  	[smem:$0x3FB6] =	sst s10  }
0x35: {  	s10 =	sld [smem:$0x3FB5];
	_ =	sdelay $0x3  }
0x36: {  	p1 =	seq.s32 s10, $0x1;
	s10 =	sld [smem:$0x3FB6];
	_ =	sdelay $0x3  }
0x37: {  	[smem:$0x3FB6] =	sst s10  }
0x38: {  	s10 =	sld [smem:$0x3FB7]  }
0x39: {  	_ = 	snop;
	(pc) =	sbr.ind lr, $3  }
0x3a: {  	_ = 	snop  }
0x3b: {  	_ = 	snop  }
0x3c: {  	p2 =	seq.s32 s10, $0x1;
	s10 =	sld [smem:$0x3FB6]  }
0x3d: {  	_ =	shalt  }
0x3e: {  	_ =	shalt  }
0x3f: {  	_ =	shalt  }
0x40: {  	_ =	shalt  }
0x41: {  	_ =	shalt  }
0x42: {  	_ =	shalt  }
0x43: {  	_ =	shalt  }
0x44: {  	_ =	shalt  }
0x45: {  	_ =	shalt  }
0x46: {  	_ =	shalt  }
0x47: {  	_ =	shalt  }
0x48: {  	_ =	shalt  }
0x49: {  	_ =	shalt  }
0x4a: {  	_ =	shalt  }
0x4b: {  	_ =	shalt  }
0x4c: {  	_ =	shalt  }
0x4d: {  	_ =	shalt  }
0x4e: {  	_ =	shalt  }
0x4f: {  	_ =	shalt  }
0x50: {  	_ =	shalt  }
0x51: {  	_ =	shalt  }
0x52: {  	_ =	shalt  }
0x53: {  	_ =	shalt  }
0x54: {  	_ =	shalt  }
0x55: {  	_ =	shalt  }
0x56: {  	_ =	shalt  }
0x57: {  	_ =	shalt  }
0x58: {  	_ =	shalt  }
0x59: {  	_ =	shalt  }
0x5a: {  	_ =	shalt  }
0x5b: {  	_ =	shalt  }
0x5c: {  	_ =	shalt  }
0x5d: {  	_ =	shalt  }
0x5e: {  	_ =	shalt  }
0x5f: {  	_ =	shalt  }
0x60: {  	_ =	shalt  }
0x61: {  	_ =	shalt  }
0x62: {  	_ =	shalt  }
0x63: {  	_ =	shalt  }
0x64: {  	_ =	shalt  }
0x65: {  	_ =	shalt  }
0x66: {  	_ =	shalt  }
0x67: {  	_ =	shalt  }
0x68: {  	_ =	shalt  }
0x69: {  	_ =	shalt  }
0x6a: {  	_ =	shalt  }
0x6b: {  	_ =	shalt  }
0x6c: {  	_ =	shalt  }
0x6d: {  	_ =	shalt  }
0x6e: {  	_ =	shalt  }
0x6f: {  	_ =	shalt  }
0x70: {  	_ =	shalt  }
0x71: {  	_ =	shalt  }
0x72: {  	_ =	shalt  }
0x73: {  	_ =	shalt  }
0x74: {  	_ =	shalt  }
0x75: {  	_ =	shalt  }
0x76: {  	_ =	shalt  }
0x77: {  	_ =	shalt  }
0x78: {  	_ =	shalt  }
0x79: {  	_ =	shalt  }
0x7a: {  	_ =	shalt  }
0x7b: {  	_ =	shalt  }
0x7c: {  	_ =	shalt  }
0x7d: {  	_ =	shalt  }
0x7e: {  	_ =	shalt  }
0x7f: {  	_ =	shalt  }
0x80: {  	_ =	shalt  }
0x81: {  	_ =	shalt  }
0x82: {  	_ =	shalt  }
0x83: {  	_ =	shalt  }
0x84: {  	_ =	shalt  }
0x85: {  	_ =	shalt  }
0x86: {  	_ =	shalt  }
0x87: {  	_ =	shalt  }
.Lfunc_end0:
.L_simem_size_0:
called_computation.1_lowered:
.L_overlay_start_0:
0x88: {  	s2 =	sld [smem:$0x3FD9]  }
0x89: {  	s3 =	sld [smem:$0x3FFE];
	_ =	sdelay $0x1  }
0x8a: {  	s1 =	srdreg.scid  }
0x8b: {  	s0 =	sand.u32 $0x1, s1  }
0x8c: {  	s17 =	sshll.u32 s0, $0xA;
	s2 =	sadd.s32 s3, s2  }
0x8d: {  	s2 =	sadd.s32 s2, s17  }
0x8e: {  	[smem:$0x3FC2] =	sst s2  }
0x8f: {  	_ = 	snop  }
0x90: {  	s2 =	sld [smem:$0x3FD0];
	(tm) =	ssettm $0x1  }
0x91: {  	s18 =	sld [smem:$0x3FFB];
	_ =	sdelay $0x3  }
0x92: {  	_ =	strace s18  }
0x93: {  	s3 =	sld [smem:$0x3FFC];
	_ =	sdelay $0x3  }
0x94: {  	_ =	strace s3  }
0x95: {  	s3 =	sld [smem:$0x3FFD];
	_ =	sdelay $0x3  }
0x96: {  	_ =	strace s3  }
0x97: {  	_ =	strace $0x8FFFFFFF  }
0x98: {  	s19 =	sld [smem:$0x3FDB];
	_ =	sdelay $0x1  }
0x99: {  	s4 =	simm.s32 $_scs_section_size  }
0x9a: {  	s5 =	simm.s32 $_size__tile_overlayer_lowered;
	s6 =	simm.s32 $_tile_overlayer_lowered  }
0x9b: {  	s22 =	simm.s32 $0x1BFF;
	s21 =	sshll.u32 s6, $0x1;
	s3 =	sadd.s32 s4, s19  }
0x9c: {  	s7 =	simm.s32 $0x0;
	s20 =	sshll.u32 s5, $0x1;
	s5 =	sadd.s32 s21, s3  }
0x9d: {  	[timem:s7], [sflag:s22] =	dma.local [hbm:s5], s20  }
0x9e: {  	_ =	swait.ge [sflag:s22], s20  }
0x9f: {  	s4 =	ssub.s32 $0x0, s20;
	[sflag:s22] =	ssyncset.done $0x0  }
0xa0: {  	[sflag:s22] =	ssyncadd.s32 s4;
	_ =	sdelay $0x1  }
0xa1: {  	s23 =	simm.s32 $0x1B8B  }
0xa2: {  	_ =	swait.ge [sflag:s23], $0x1  }
0xa3: {  	[sflag:s23] =	ssyncset.done $0x0  }
0xa4: {  	s25 =	simm.s32 $0x1B8E;
	s24 =	sld [smem:$0x3FFE];
	[sflag:s23] =	ssyncadd.s32 $0xFFFFFFFF  }
0xa5: {  	s26 =	simm.s32 $execute0_lowered;
	[smem:$0x3FD2] =	sst s25  }
0xa6: {  	s5 =	sshll.u32 s26, $0x1;
	_ =	strace $0x80000049;
	[dreg:$0x1] =	wrdreg $0xFFFFFFFF  }
0xa7: {  	s28 =	simm.s32 $_size_execute0_lowered;
	s3 =	sadd.s32 s3, s5;
	[dreg:$0x0] =	wrdreg $0x0  }
0xa8: {  	s5 =	sshll.u32 s28, $0x1;
	[dreg:$0x2] =	wrdreg s3  }
0xa9: {  	[dreg:$0x3] =	wrdreg s5  }
0xaa: {  	[dreg:$0x4] =	wrdreg $0xC0  }
0xab: {  	_ =	task [dreg:s7], $0x5FFFF  }
0xac: {  	[dreg:$0x1] =	wrdreg $0xFFFFFFFF  }
0xad: {  	[dreg:$0x0] =	wrdreg $0x60  }
0xae: {  	[dreg:$0x2] =	wrdreg s24  }
0xaf: {  	[dreg:$0x3] =	wrdreg s2  }
0xb0: {  	[dreg:$0x4] =	wrdreg $0xA8000  }
0xb1: {  	[dreg:$0x5] =	wrdreg $0x9  }
0xb2: {  	_ =	task.clear_ibuf [dreg:s7], $0x6FFFF;
	_ =	strace $0x90000049  }
0xb3: {  	s29 =	simm.s32 $0x9;
	_ =	strace $0x8000004B  }
0xb4: {  	_ =	swait.ge [sflag:s29], $0x1  }
0xb5: {  	[sflag:s29] =	ssyncadd.s32 $0xFFFFFFFF  }
0xb6: {  	_ =	strace $0x9000004B  }
0xb7: {  	_ =	sfence  }
0xb8: {  	s30 =	sld [smem:$0x0];
	_ =	sdelay $0x2  }
0xb9: {  	s31 =	sshll.u32 s1, $0xD;
	s1 =	sshrl.u32 s1, $0x2  }
0xba: {  	s3 =	sand.u32 $0x4000, s31;
	s1 =	sadd.s32 s1, s30  }
0xbb: {  	s0 =	sor.u32 s3, s0;
	s1 =	sshll.u32 s1, $0x11  }
0xbc: {  	s0 =	sor.u32 s1, s0  }
0xbd: {  	s0 =	sadd.s32 $0x8F2B, s0  }
0xbe: {  	[sflag:s0] =	ssyncadd.remote.s32 $0x1  }
0xbf: {  	_ =	sfence.sel $0xFFFF  }
0xc0: {  	[dreg:$0x0] =	wrdreg $0xFFFFFFFF;
	(pc) =	sbr.abs _section_cstart, $3  }
0xc1: {  	[dreg:$0x1] =	wrdreg $0xFFFFFFFF  }
0xc2: {  	_ =	task.clear_ibuf [dreg:s7], $0x2FFFF;
	_ =	strace $0x9FFFFFFF  }
0xc3: {  	(tm) =	ssettm $0x7FFFFFFF  }
tec
execute0_lowered:
.L_overlay_start_1:
0x0: {  	(tag) =	ssettag $0x1  }
0x1: {  	s0 =	rddreg [dreg:$0x0]  }
0x2: {  	s1 =	rddreg [dreg:$0x1]  }
0x3: {  	s2 =	rddreg [dreg:$0x2];
	s4 =	simm.s32 $0x0;
	s13 =	stileid.u32  }
0x4: {  	s3 =	srdreg.scid;
	s29 =	simm.s32 $0x2800;
	s7 =	smul.u32 $0x50000, s13  }
0x5: {  	s30 =	simm.s32 $0x5;
	s31 =	simm.s32 $0x1400;
	s10 =	smul.u32 $0x3C00, s13  }
0x6: {  	[smem:$0x7FF] =	sst s4;
	s3 =	sand.u32 $0x1, s3;
	s26 =	smul.u32 $0x780, s13  }
0x7: {  	s6 =	sadd.s32 $0x2000, s0;
	s8 =	sadd.s32 $0xC000, s0;
	s12 =	smul.u32 $0x1400, s13  }
0x8: {  	s0 =	sadd.s32 $0x16000, s0;
	s18 =	smul.u32 $0x14000, s13;
	_ =	strace $0x8000004A  }
0x9: {  	s5 =	ssub.s32 $0x2, s3;
	p0 =	seq.s32 s3, $0x1;
	s3 =	smul.u32 $0x140000, s3  }
0xa: {  	s9 =	sshrl.u32 s5, $0x1;
	s25 =	sshrl.u32 s7, $0x2;
	s10 =	sshrl.u32 s10, $0x3  }
0xb: {  	s14 =	sadd.s32 s6, s26;
	s7 =	sadd.s32 s8, s26;
	s17 =	sshrl.u32 s12, $0x3  }
0xc: {  	s23 =	sadd.s32 $0x8000, s18;
	s24 =	sadd.s32 $0xC000, s18;
	s9 =	ssub.s32 s5, s9  }
0xd: {  	s5 =	sadd.s32 s25, s2;
	s11 =	sadd.s32 $0x280, s10;
	[dreg:$0x4] =	wrdreg s14  }
0xe: {  	[dreg:$0x5] =	wrdreg s7;
	s10 =	sadd.s32 $0x500, s10;
	s7 =	sadd.s32 $0x7800, s17  }
0xf: {  	s14 =	sadd.s32 s3, s18;
	s25 =	sadd.s32 s3, s23;
	s15 =	sadd.s32 s6, s11  }
0x10: {  	s23 =	sadd.s32 s23, s2;
	s16 =	sadd.s32 s8, s11;
	[dreg:$0x6] =	wrdreg s15  }
0x11: {  	s26 =	sadd.s32 s6, s10;
	s10 =	sadd.s32 s8, s10;
	[dreg:$0x7] =	wrdreg s16  }
0x12: {  	s6 =	sadd.s32 s6, s7;
	s13 =	sadd.s32 s8, s7;
	[dreg:$0x8] =	wrdreg s26  }
0x13: {  	s19 =	smax.u32 s9, $0x1;
	s21 =	sadd.s32 $0x4000, s5;
	[dreg:$0x9] =	wrdreg s10  }
0x14: {  	s11 =	sadd.s32 $0x10000, s18;
	s9 =	sshrl.u32 s25, $0x3;
	[dreg:$0xa] =	wrdreg s6  }
0x15: {  	s28 =	sadd.s32 $0x10000, s5;
	s7 =	simm.s32 $0x2;
	[dreg:$0xb] =	wrdreg s13  }
0x16: {  	s8 =	simm.s32 $0x3;
	s15 =	sadd.s32 $0x4000, s18;
	[dreg:$0xc] =	wrdreg s19  }
0x17: {  	s6 =	sshrl.u32 s14, $0x3;
	[dreg:$0xd] =	wrdreg s21;
	s26 =	sadd.s32 s3, s24  }
0x18: {  	s18 =	sadd.s32 s0, s9;
	s21 =	sadd.s32 $0x8000, s5;
	s24 =	sadd.s32 s24, s2  }
0x19: {  	s25 =	sadd.s32 s11, s2;
	s9 =	simm.s32 $0x4;
	s20 =	sadd.s32 s3, s15  }
.Ltmp0:
0x1a: {  	s16 =	sadd.s32 s0, s6;
	s10 =	sshrl.u32 s26, $0x3;
	(pc) =	sbr.rel .LBB2_1-.Ltmp0, $4  }
0x1b: {  	s3 =	sadd.s32 s3, s11;
	s26 =	sadd.s32 $0xC000, s5;
	s6 =	simm.s32 $0x6800  }
0x1c: {  	s22 =	sshrl.u32 s20, $0x3;
	s19 =	sadd.s32 s0, s10;
	s3 =	sshrl.u32 s3, $0x3  }
0x1d: {  	s10 =	simm.s32 $0x0;
	s17 =	sadd.s32 s0, s22;
	s20 =	sadd.s32 s0, s3  }
0x1e: {  	v0 =	vimm.f32 $0.0e+00;
	s22 =	sadd.s32 s15, s2;
	s0 =	simm.s32 $0x80;
	s3 =	simm.s32 $0x1  }
.LBB2_10:
0x1f: {  	s12 =	sadd.s32 $0x1400, s11;
	[sflag:s9] =	ssyncadd.s32 $0xFFFFC000  }
0x20: {  	[tilespmem:s29], [sflag:$0x1] =	stream.indirect.gather [hbm4b:s1+s0], $0x80, s12, s0, $0xb8;
	[tilespmem:$0x1E800] =	vst v63  }
0x21: {  	_ =	swait.ge [sflag:s3], $0x4000  }
0x22: {  	[sflag:s3] =	ssyncset.done $0x0  }
0x23: {  	[sflag:s3] =	ssyncadd.s32 $0xFFFFC000  }
0x24: {  	[spmem:s2] =	stream.indirect.scatter.add.f32 [tilespmem:s29], [sflag:$0x3], $0x80, s11, s0, $0xb8;
	[tilespmem:$0x1E800] =	vst v63  }
0x25: {  	s14 =	sadd.s32 $0x1480, s11  }
0x26: {  	[tilespmem:s6], [sflag:$0x2] =	stream.indirect.gather [hbm4b:s1+s0], $0x80, s14, s0, $0xb8;
	[tilespmem:$0x1E800] =	vst v63  }
0x27: {  	_ =	swait.ge [sflag:s7], $0x4000  }
0x28: {  	[sflag:s7] =	ssyncset.done $0x0  }
0x29: {  	s15 =	sadd.s32 $0x80, s11;
	[sflag:s7] =	ssyncadd.s32 $0xFFFFC000  }
0x2a: {  	[spmem:s2] =	stream.indirect.scatter.add.f32 [tilespmem:s6], [sflag:$0x4], $0x80, s15, s0, $0xb8;
	[tilespmem:$0x1E800] =	vst v63  }
0x2b: {  	_ =	swait.ge [sflag:s8], $0x4000  }
0x2c: {  	[sflag:s8] =	ssyncset.done $0x0  }
0x2d: {  	[sflag:s8] =	ssyncadd.s32 $0xFFFFC000  }
0x2e: {  	_ =	swait.ge [sflag:s9], $0x4000  }
0x2f: {  	[sflag:s9] =	ssyncset.done $0x0  }
0x30: {  	[sflag:s9] =	ssyncadd.s32 $0xFFFFC000  }
.LBB2_14:
0x31: {  	[bflag:$0x0] =	sbarrier.arrive $0xFFFF  }
0x32: {  	[tilespmem:s29], [sflag:$0x5] =	stream.linear.gather [spmem:s5], $0x4000, $0x38;
	[tilespmem:$0x1E800] =	vst v63  }
0x33: {  	_ =	swait.ge [sflag:s30], $0x4000  }
0x34: {  	[sflag:s30] =	ssyncset.done $0x0  }
0x35: {  	[sflag:s30] =	ssyncadd.s32 $0xFFFFC000  }
0x36: {  	[hbm4b:s16+s4] =	stream.linear.scatter [tilespmem:s29], [sflag:$0x5], $0x4000, $0x38;
	[tilespmem:$0x1E800] =	vst v63  }
0x37: {  	_ =	swait.ge [sflag:s30], $0x4000  }
0x38: {  	[sflag:s30] =	ssyncset.done $0x0  }
0x39: {  	[sflag:s30] =	ssyncadd.s32 $0xFFFFC000  }
0x3a: {  	[tilespmem:s29], [sflag:$0x5] =	stream.linear.gather [spmem:s22], $0x4000, $0x38;
	[tilespmem:$0x1E800] =	vst v63  }
0x3b: {  	_ =	swait.ge [sflag:s30], $0x4000  }
0x3c: {  	[sflag:s30] =	ssyncset.done $0x0  }
0x3d: {  	[sflag:s30] =	ssyncadd.s32 $0xFFFFC000  }
0x3e: {  	[hbm4b:s17+s4] =	stream.linear.scatter [tilespmem:s29], [sflag:$0x5], $0x4000, $0x38;
	[tilespmem:$0x1E800] =	vst v63  }
0x3f: {  	_ =	swait.ge [sflag:s30], $0x4000  }
0x40: {  	[sflag:s30] =	ssyncset.done $0x0  }
0x41: {  	[sflag:s30] =	ssyncadd.s32 $0xFFFFC000  }
0x42: {  	[tilespmem:s29], [sflag:$0x5] =	stream.linear.gather [spmem:s23], $0x4000, $0x38;
	[tilespmem:$0x1E800] =	vst v63  }
0x43: {  	_ =	swait.ge [sflag:s30], $0x4000  }
0x44: {  	[sflag:s30] =	ssyncset.done $0x0  }
0x45: {  	[sflag:s30] =	ssyncadd.s32 $0xFFFFC000  }
0x46: {  	[hbm4b:s18+s4] =	stream.linear.scatter [tilespmem:s29], [sflag:$0x5], $0x4000, $0x38;
	[tilespmem:$0x1E800] =	vst v63  }
0x47: {  	_ =	swait.ge [sflag:s30], $0x4000  }
0x48: {  	[sflag:s30] =	ssyncset.done $0x0  }
0x49: {  	[sflag:s30] =	ssyncadd.s32 $0xFFFFC000  }
0x4a: {  	[tilespmem:s29], [sflag:$0x5] =	stream.linear.gather [spmem:s24], $0x4000, $0x38;
	[tilespmem:$0x1E800] =	vst v63  }
0x4b: {  	_ =	swait.ge [sflag:s30], $0x4000  }
0x4c: {  	[sflag:s30] =	ssyncset.done $0x0  }
0x4d: {  	[sflag:s30] =	ssyncadd.s32 $0xFFFFC000  }
0x4e: {  	[hbm4b:s19+s4] =	stream.linear.scatter [tilespmem:s29], [sflag:$0x5], $0x4000, $0x38;
	[tilespmem:$0x1E800] =	vst v63  }
0x4f: {  	_ =	swait.ge [sflag:s30], $0x4000  }
0x50: {  	[sflag:s30] =	ssyncset.done $0x0  }
0x51: {  	[sflag:s30] =	ssyncadd.s32 $0xFFFFC000  }
0x52: {  	[tilespmem:s29], [sflag:$0x5] =	stream.linear.gather [spmem:s25], $0x4000, $0x38;
	[tilespmem:$0x1E800] =	vst v63  }
0x53: {  	_ =	swait.ge [sflag:s30], $0x4000  }
0x54: {  	[sflag:s30] =	ssyncset.done $0x0  }
0x55: {  	[sflag:s30] =	ssyncadd.s32 $0xFFFFC000  }
0x56: {  	[hbm4b:s20+s4] =	stream.linear.scatter [tilespmem:s29], [sflag:$0x5], $0x4000, $0x38;
	[tilespmem:$0x1E800] =	vst v63  }
0x57: {  	_ =	swait.ge [sflag:s30], $0x4000  }
0x58: {  	s10 =	sadd.s32 $0x1, s10;
	s11 =	rddreg [dreg:$0xc]  }
0x59: {  	p1 =	sne.s32 s10, s11  }
.Ltmp1:
0x5a: {  	_ = 	snop;
	(pc) =	sbr.rel @!p1 .LBB2_15-.Ltmp1, $3  }
0x5b: {  	_ =	sdelay $0x1  }
0x5c: {  	[sflag:s30] =	ssyncset.done $0x0  }
0x5d: {  	[sflag:s30] =	ssyncadd.s32 $0xFFFFC000  }
.LBB2_1:
0x5e: {  	s11 =	simm.s32 $0x0;
	s12 =	simm.s32 $0x200  }
.LBB2_2:
0x5f: {  	p1 =	sne.s32 s12, $0xFE00;
	[tilespmem:s11+$0x2870] =	vst v0  }
0x60: {  	[tilespmem:s11+$0x2800] =	vst v0  }
0x61: {  	[tilespmem:s11+$0x2810] =	vst v0  }
.Ltmp2:
0x62: {  	[tilespmem:s11+$0x2820] =	vst v0;
	(pc) =	sbr.rel @p1 .LBB2_2-.Ltmp2, $4  }
0x63: {  	[tilespmem:s11+$0x2830] =	vst v0  }
0x64: {  	[tilespmem:s11+$0x2840] =	vst v0  }
0x65: {  	[tilespmem:s11+$0x2850] =	vst v0  }
0x66: {  	[tilespmem:s11+$0x2860] =	vst v0;
	s11 =	sshra.s32 s12, $0x2;
	s12 =	sadd.s32 $0x200, s12  }
0x67: {  	[tilespmem:s11+$0x2870] =	vst v0  }
0x68: {  	[tilespmem:s11+$0x2800] =	vst v0  }
0x69: {  	[tilespmem:s11+$0x2810] =	vst v0  }
0x6a: {  	[tilespmem:s11+$0x2820] =	vst v0  }
0x6b: {  	[tilespmem:s11+$0x2830] =	vst v0  }
0x6c: {  	[tilespmem:s11+$0x2840] =	vst v0  }
0x6d: {  	[tilespmem:s11+$0x2850] =	vst v0  }
0x6e: {  	[tilespmem:s11+$0x2860] =	vst v0  }
0x6f: {  	[spmem:s5] =	stream.linear.scatter [tilespmem:s29], [sflag:$0x5], $0x4000, $0x38;
	[tilespmem:$0x1E800] =	vst v63  }
0x70: {  	_ =	swait.ge [sflag:s30], $0x4000  }
0x71: {  	[sflag:s30] =	ssyncset.done $0x0  }
0x72: {  	s15 =	rddreg [dreg:$0xd];
	[sflag:s30] =	ssyncadd.s32 $0xFFFFC000  }
0x73: {  	[spmem:s15] =	stream.linear.scatter [tilespmem:s29], [sflag:$0x5], $0x4000, $0x38;
	[tilespmem:$0x1E800] =	vst v63  }
0x74: {  	_ =	swait.ge [sflag:s30], $0x4000  }
0x75: {  	[sflag:s30] =	ssyncset.done $0x0  }
0x76: {  	[sflag:s30] =	ssyncadd.s32 $0xFFFFC000  }
0x77: {  	[spmem:s21] =	stream.linear.scatter [tilespmem:s29], [sflag:$0x5], $0x4000, $0x38;
	[tilespmem:$0x1E800] =	vst v63  }
0x78: {  	_ =	swait.ge [sflag:s30], $0x4000  }
0x79: {  	[sflag:s30] =	ssyncset.done $0x0  }
0x7a: {  	[sflag:s30] =	ssyncadd.s32 $0xFFFFC000  }
0x7b: {  	[spmem:s26] =	stream.linear.scatter [tilespmem:s29], [sflag:$0x5], $0x4000, $0x38;
	[tilespmem:$0x1E800] =	vst v63  }
0x7c: {  	_ =	swait.ge [sflag:s30], $0x4000  }
0x7d: {  	[sflag:s30] =	ssyncset.done $0x0  }
0x7e: {  	[sflag:s30] =	ssyncadd.s32 $0xFFFFC000  }
0x7f: {  	[spmem:s28] =	stream.linear.scatter [tilespmem:s29], [sflag:$0x5], $0x4000, $0x38;
	[tilespmem:$0x1E800] =	vst v63  }
.Ltmp3:
0x80: {  	_ =	swait.ge [sflag:s30], $0x4000;
	(pc) =	sbr.rel @!p0 .LBB2_4-.Ltmp3, $4  }
0x81: {  	[sflag:s30] =	ssyncset.done $0x0  }
0x82: {  	[sflag:s30] =	ssyncadd.s32 $0xFFFFC000  }
0x83: {  	[bflag:$0x0] =	sbarrier.arrive $0xFFFF  }
0x84: {  	s11 =	simm.s32 $0x0  }
0x85: {  	s12 =	rddreg [dreg:$0xa]  }
0x86: {  	[tilespmem:s11], [sflag:$0x5] =	stream.linear.gather [hbm4b:s12+s11], $0x1400, $0x38;
	[tilespmem:$0x1E800] =	vst v63  }
0x87: {  	_ =	swait.ge [sflag:s30], $0x1400  }
0x88: {  	[sflag:s30] =	ssyncset.done $0x0  }
0x89: {  	s15 =	rddreg [dreg:$0xb];
	[sflag:s30] =	ssyncadd.s32 $0xFFFFEC00  }
0x8a: {  	[tilespmem:s31], [sflag:$0x5] =	stream.linear.gather [hbm4b:s15+s11], $0x1400, $0x38;
	[tilespmem:$0x1E800] =	vst v63  }
0x8b: {  	_ =	swait.ge [sflag:s30], $0x1400  }
0x8c: {  	[sflag:s30] =	ssyncset.done $0x0  }
0x8d: {  	s12 =	simm.s32 $0x1400;
	[sflag:s30] =	ssyncadd.s32 $0xFFFFEC00  }
0x8e: {  	[tilespmem:s29], [sflag:$0x1] =	stream.indirect.gather [hbm4b:s1+s0], $0x80, s12, s0, $0xb8;
	[tilespmem:$0x1E800] =	vst v63  }
0x8f: {  	_ =	swait.ge [sflag:s3], $0x4000  }
0x90: {  	[sflag:s3] =	ssyncset.done $0x0  }
0x91: {  	s13 =	simm.s32 $0x0;
	[sflag:s3] =	ssyncadd.s32 $0xFFFFC000  }
0x92: {  	[spmem:s2] =	stream.indirect.scatter.add.f32 [tilespmem:s29], [sflag:$0x3], $0x80, s13, s0, $0xb8;
	[tilespmem:$0x1E800] =	vst v63  }
0x93: {  	s14 =	simm.s32 $0x1480  }
0x94: {  	[tilespmem:s6], [sflag:$0x2] =	stream.indirect.gather [hbm4b:s1+s0], $0x80, s14, s0, $0xb8;
	[tilespmem:$0x1E800] =	vst v63  }
0x95: {  	_ =	swait.ge [sflag:s7], $0x4000  }
0x96: {  	[sflag:s7] =	ssyncset.done $0x0  }
0x97: {  	s15 =	simm.s32 $0x80;
	[sflag:s7] =	ssyncadd.s32 $0xFFFFC000  }
0x98: {  	[spmem:s2] =	stream.indirect.scatter.add.f32 [tilespmem:s6], [sflag:$0x4], $0x80, s15, s0, $0xb8;
	[tilespmem:$0x1E800] =	vst v63  }
0x99: {  	_ =	swait.ge [sflag:s8], $0x4000  }
0x9a: {  	[sflag:s8] =	ssyncset.done $0x0  }
0x9b: {  	[sflag:s8] =	ssyncadd.s32 $0xFFFFC000  }
0x9c: {  	_ =	swait.ge [sflag:s9], $0x4000  }
0x9d: {  	s11 =	simm.s32 $0x100;
	s12 =	simm.s32 $0x800;
	[sflag:s9] =	ssyncset.done $0x0  }
.LBB2_12:
0x9e: {  	s13 =	sadd.s32 $0x1400, s11  }
0x9f: {  	[sflag:s9] =	ssyncadd.s32 $0xFFFFC000;
	s14 =	smov.u32 s12;
	s15 =	sadd.s32 $0x400, s12  }
0xa0: {  	[tilespmem:s29], [sflag:$0x1] =	stream.indirect.gather [hbm4b:s1+s0], $0x80, s13, s0, $0xb8;
	[tilespmem:$0x1E800] =	vst v63  }
0xa1: {  	p1 =	sne.s32 s12, $0x4C00;
	_ =	swait.ge [sflag:s3], $0x4000  }
0xa2: {  	[sflag:s3] =	ssyncset.done $0x0  }
0xa3: {  	[sflag:s3] =	ssyncadd.s32 $0xFFFFC000  }
0xa4: {  	[spmem:s2] =	stream.indirect.scatter.add.f32 [tilespmem:s29], [sflag:$0x3], $0x80, s11, s0, $0xb8;
	[tilespmem:$0x1E800] =	vst v63  }
0xa5: {  	s12 =	sadd.s32 $0x1480, s11  }
0xa6: {  	[tilespmem:s6], [sflag:$0x2] =	stream.indirect.gather [hbm4b:s1+s0], $0x80, s12, s0, $0xb8;
	[tilespmem:$0x1E800] =	vst v63  }
0xa7: {  	_ =	swait.ge [sflag:s7], $0x4000  }
0xa8: {  	[sflag:s7] =	ssyncset.done $0x0  }
0xa9: {  	s11 =	sadd.s32 $0x80, s11;
	[sflag:s7] =	ssyncadd.s32 $0xFFFFC000  }
0xaa: {  	[spmem:s2] =	stream.indirect.scatter.add.f32 [tilespmem:s6], [sflag:$0x4], $0x80, s11, s0, $0xb8;
	[tilespmem:$0x1E800] =	vst v63  }
.Ltmp4:
0xab: {  	_ =	swait.ge [sflag:s8], $0x4000;
	(pc) =	sbr.rel @p1 .LBB2_12-.Ltmp4, $4  }
0xac: {  	[sflag:s8] =	ssyncset.done $0x0  }
0xad: {  	[sflag:s8] =	ssyncadd.s32 $0xFFFFC000  }
0xae: {  	_ =	swait.ge [sflag:s9], $0x4000  }
0xaf: {  	s12 =	smov.u32 s15;
	s11 =	sshra.s32 s14, $0x2;
	[sflag:s9] =	ssyncset.done $0x0  }
0xb0: {  	s12 =	sadd.s32 $0x1400, s11;
	[sflag:s9] =	ssyncadd.s32 $0xFFFFC000  }
0xb1: {  	[tilespmem:s29], [sflag:$0x1] =	stream.indirect.gather [hbm4b:s1+s0], $0x80, s12, s0, $0xb8;
	[tilespmem:$0x1E800] =	vst v63  }
0xb2: {  	_ =	swait.ge [sflag:s3], $0x4000  }
0xb3: {  	[sflag:s3] =	ssyncset.done $0x0  }
0xb4: {  	[sflag:s3] =	ssyncadd.s32 $0xFFFFC000  }
0xb5: {  	[spmem:s2] =	stream.indirect.scatter.add.f32 [tilespmem:s29], [sflag:$0x3], $0x80, s11, s0, $0xb8;
	[tilespmem:$0x1E800] =	vst v63  }
0xb6: {  	s14 =	sadd.s32 $0x1480, s11  }
0xb7: {  	[tilespmem:s6], [sflag:$0x2] =	stream.indirect.gather [hbm4b:s1+s0], $0x80, s14, s0, $0xb8;
	[tilespmem:$0x1E800] =	vst v63  }
0xb8: {  	_ =	swait.ge [sflag:s7], $0x4000  }
0xb9: {  	[sflag:s7] =	ssyncset.done $0x0  }
0xba: {  	s15 =	sadd.s32 $0x80, s11;
	[sflag:s7] =	ssyncadd.s32 $0xFFFFC000  }
0xbb: {  	[spmem:s2] =	stream.indirect.scatter.add.f32 [tilespmem:s6], [sflag:$0x4], $0x80, s15, s0, $0xb8;
	[tilespmem:$0x1E800] =	vst v63  }
0xbc: {  	_ =	swait.ge [sflag:s8], $0x4000  }
.Ltmp5:
0xbd: {  	[sflag:s8] =	ssyncset.done $0x0;
	(pc) =	sbr.rel .LBB2_14-.Ltmp5, $4  }
0xbe: {  	[sflag:s8] =	ssyncadd.s32 $0xFFFFC000  }
0xbf: {  	_ =	swait.ge [sflag:s9], $0x4000  }
0xc0: {  	[sflag:s9] =	ssyncset.done $0x0  }
0xc1: {  	[sflag:s9] =	ssyncadd.s32 $0xFFFFC000  }
.LBB2_4:
0xc2: {  	s12 =	rddreg [dreg:$0x4]  }
0xc3: {  	[tilespmem:s11], [sflag:$0x5] =	stream.linear.gather [hbm4b:s12+s11], $0x1400, $0x38;
	[tilespmem:$0x1E800] =	vst v63  }
0xc4: {  	_ =	swait.ge [sflag:s30], $0x1400  }
0xc5: {  	[sflag:s30] =	ssyncset.done $0x0  }
0xc6: {  	s15 =	rddreg [dreg:$0x5];
	[sflag:s30] =	ssyncadd.s32 $0xFFFFEC00  }
0xc7: {  	[tilespmem:s31], [sflag:$0x5] =	stream.linear.gather [hbm4b:s15+s11], $0x1400, $0x38;
	[tilespmem:$0x1E800] =	vst v63  }
0xc8: {  	_ =	swait.ge [sflag:s30], $0x1400  }
0xc9: {  	[sflag:s30] =	ssyncset.done $0x0  }
0xca: {  	s12 =	simm.s32 $0x1400;
	[sflag:s30] =	ssyncadd.s32 $0xFFFFEC00  }
0xcb: {  	[tilespmem:s29], [sflag:$0x1] =	stream.indirect.gather [hbm4b:s1+s0], $0x80, s12, s0, $0xb8;
	[tilespmem:$0x1E800] =	vst v63  }
0xcc: {  	_ =	swait.ge [sflag:s3], $0x4000  }
0xcd: {  	[sflag:s3] =	ssyncset.done $0x0  }
0xce: {  	s13 =	simm.s32 $0x0;
	[sflag:s3] =	ssyncadd.s32 $0xFFFFC000  }
0xcf: {  	[spmem:s2] =	stream.indirect.scatter.add.f32 [tilespmem:s29], [sflag:$0x3], $0x80, s13, s0, $0xb8;
	[tilespmem:$0x1E800] =	vst v63  }
0xd0: {  	s14 =	simm.s32 $0x1480  }
0xd1: {  	[tilespmem:s6], [sflag:$0x2] =	stream.indirect.gather [hbm4b:s1+s0], $0x80, s14, s0, $0xb8;
	[tilespmem:$0x1E800] =	vst v63  }
0xd2: {  	_ =	swait.ge [sflag:s7], $0x4000  }
0xd3: {  	[sflag:s7] =	ssyncset.done $0x0  }
0xd4: {  	s15 =	simm.s32 $0x80;
	[sflag:s7] =	ssyncadd.s32 $0xFFFFC000  }
0xd5: {  	[spmem:s2] =	stream.indirect.scatter.add.f32 [tilespmem:s6], [sflag:$0x4], $0x80, s15, s0, $0xb8;
	[tilespmem:$0x1E800] =	vst v63  }
0xd6: {  	_ =	swait.ge [sflag:s8], $0x4000  }
0xd7: {  	[sflag:s8] =	ssyncset.done $0x0  }
0xd8: {  	[sflag:s8] =	ssyncadd.s32 $0xFFFFC000  }
0xd9: {  	_ =	swait.ge [sflag:s9], $0x4000  }
0xda: {  	s11 =	simm.s32 $0x100;
	s12 =	simm.s32 $0x800;
	[sflag:s9] =	ssyncset.done $0x0  }
.LBB2_5:
0xdb: {  	s13 =	sadd.s32 $0x1400, s11  }
0xdc: {  	[sflag:s9] =	ssyncadd.s32 $0xFFFFC000;
	s14 =	smov.u32 s12;
	s15 =	sadd.s32 $0x400, s12  }
0xdd: {  	[tilespmem:s29], [sflag:$0x1] =	stream.indirect.gather [hbm4b:s1+s0], $0x80, s13, s0, $0xb8;
	[tilespmem:$0x1E800] =	vst v63  }
0xde: {  	p1 =	sne.s32 s12, $0x4C00;
	_ =	swait.ge [sflag:s3], $0x4000  }
0xdf: {  	[sflag:s3] =	ssyncset.done $0x0  }
0xe0: {  	[sflag:s3] =	ssyncadd.s32 $0xFFFFC000  }
0xe1: {  	[spmem:s2] =	stream.indirect.scatter.add.f32 [tilespmem:s29], [sflag:$0x3], $0x80, s11, s0, $0xb8;
	[tilespmem:$0x1E800] =	vst v63  }
0xe2: {  	s12 =	sadd.s32 $0x1480, s11  }
0xe3: {  	[tilespmem:s6], [sflag:$0x2] =	stream.indirect.gather [hbm4b:s1+s0], $0x80, s12, s0, $0xb8;
	[tilespmem:$0x1E800] =	vst v63  }
0xe4: {  	_ =	swait.ge [sflag:s7], $0x4000  }
0xe5: {  	[sflag:s7] =	ssyncset.done $0x0  }
0xe6: {  	s11 =	sadd.s32 $0x80, s11;
	[sflag:s7] =	ssyncadd.s32 $0xFFFFC000  }
0xe7: {  	[spmem:s2] =	stream.indirect.scatter.add.f32 [tilespmem:s6], [sflag:$0x4], $0x80, s11, s0, $0xb8;
	[tilespmem:$0x1E800] =	vst v63  }
.Ltmp6:
0xe8: {  	_ =	swait.ge [sflag:s8], $0x4000;
	(pc) =	sbr.rel @p1 .LBB2_5-.Ltmp6, $4  }
0xe9: {  	[sflag:s8] =	ssyncset.done $0x0  }
0xea: {  	[sflag:s8] =	ssyncadd.s32 $0xFFFFC000  }
0xeb: {  	_ =	swait.ge [sflag:s9], $0x4000  }
0xec: {  	s12 =	smov.u32 s15;
	s11 =	sshra.s32 s14, $0x2;
	[sflag:s9] =	ssyncset.done $0x0  }
0xed: {  	s12 =	sadd.s32 $0x1400, s11;
	[sflag:s9] =	ssyncadd.s32 $0xFFFFC000  }
0xee: {  	[tilespmem:s29], [sflag:$0x1] =	stream.indirect.gather [hbm4b:s1+s0], $0x80, s12, s0, $0xb8;
	[tilespmem:$0x1E800] =	vst v63  }
0xef: {  	_ =	swait.ge [sflag:s3], $0x4000  }
0xf0: {  	[sflag:s3] =	ssyncset.done $0x0  }
0xf1: {  	[sflag:s3] =	ssyncadd.s32 $0xFFFFC000  }
0xf2: {  	[spmem:s2] =	stream.indirect.scatter.add.f32 [tilespmem:s29], [sflag:$0x3], $0x80, s11, s0, $0xb8;
	[tilespmem:$0x1E800] =	vst v63  }
0xf3: {  	s15 =	sadd.s32 $0x1480, s11  }
0xf4: {  	[tilespmem:s6], [sflag:$0x2] =	stream.indirect.gather [hbm4b:s1+s0], $0x80, s15, s0, $0xb8;
	[tilespmem:$0x1E800] =	vst v63  }
0xf5: {  	_ =	swait.ge [sflag:s7], $0x4000  }
0xf6: {  	[sflag:s7] =	ssyncset.done $0x0  }
0xf7: {  	s12 =	sadd.s32 $0x80, s11;
	[sflag:s7] =	ssyncadd.s32 $0xFFFFC000  }
0xf8: {  	[spmem:s2] =	stream.indirect.scatter.add.f32 [tilespmem:s6], [sflag:$0x4], $0x80, s12, s0, $0xb8;
	[tilespmem:$0x1E800] =	vst v63  }
0xf9: {  	_ =	swait.ge [sflag:s8], $0x4000  }
0xfa: {  	[sflag:s8] =	ssyncset.done $0x0  }
0xfb: {  	[sflag:s8] =	ssyncadd.s32 $0xFFFFC000  }
0xfc: {  	_ =	swait.ge [sflag:s9], $0x4000  }
0xfd: {  	[sflag:s9] =	ssyncset.done $0x0  }
0xfe: {  	s13 =	simm.s32 $0x0;
	s14 =	rddreg [dreg:$0x6];
	[sflag:s9] =	ssyncadd.s32 $0xFFFFC000  }
0xff: {  	[tilespmem:s13], [sflag:$0x5] =	stream.linear.gather [hbm4b:s14+s13], $0x1400, $0x38;
	[tilespmem:$0x1E800] =	vst v63  }
0x100: {  	_ =	swait.ge [sflag:s30], $0x1400  }
0x101: {  	[sflag:s30] =	ssyncset.done $0x0  }
0x102: {  	s15 =	rddreg [dreg:$0x7];
	[sflag:s30] =	ssyncadd.s32 $0xFFFFEC00  }
0x103: {  	[tilespmem:s31], [sflag:$0x5] =	stream.linear.gather [hbm4b:s15+s13], $0x1400, $0x38;
	[tilespmem:$0x1E800] =	vst v63  }
0x104: {  	_ =	swait.ge [sflag:s30], $0x1400  }
0x105: {  	[sflag:s30] =	ssyncset.done $0x0  }
0x106: {  	s12 =	simm.s32 $0x1400;
	[sflag:s30] =	ssyncadd.s32 $0xFFFFEC00  }
0x107: {  	[tilespmem:s29], [sflag:$0x1] =	stream.indirect.gather [hbm4b:s1+s0], $0x80, s12, s0, $0xb8;
	[tilespmem:$0x1E800] =	vst v63  }
0x108: {  	_ =	swait.ge [sflag:s3], $0x4000  }
0x109: {  	[sflag:s3] =	ssyncset.done $0x0  }
0x10a: {  	s13 =	simm.s32 $0x0;
	[sflag:s3] =	ssyncadd.s32 $0xFFFFC000  }
0x10b: {  	[spmem:s2] =	stream.indirect.scatter.add.f32 [tilespmem:s29], [sflag:$0x3], $0x80, s13, s0, $0xb8;
	[tilespmem:$0x1E800] =	vst v63  }
0x10c: {  	s14 =	simm.s32 $0x1480  }
0x10d: {  	[tilespmem:s6], [sflag:$0x2] =	stream.indirect.gather [hbm4b:s1+s0], $0x80, s14, s0, $0xb8;
	[tilespmem:$0x1E800] =	vst v63  }
0x10e: {  	_ =	swait.ge [sflag:s7], $0x4000  }
0x10f: {  	[sflag:s7] =	ssyncset.done $0x0  }
0x110: {  	s15 =	simm.s32 $0x80;
	[sflag:s7] =	ssyncadd.s32 $0xFFFFC000  }
0x111: {  	[spmem:s2] =	stream.indirect.scatter.add.f32 [tilespmem:s6], [sflag:$0x4], $0x80, s15, s0, $0xb8;
	[tilespmem:$0x1E800] =	vst v63  }
0x112: {  	_ =	swait.ge [sflag:s8], $0x4000  }
0x113: {  	[sflag:s8] =	ssyncset.done $0x0  }
0x114: {  	[sflag:s8] =	ssyncadd.s32 $0xFFFFC000  }
0x115: {  	_ =	swait.ge [sflag:s9], $0x4000  }
0x116: {  	s11 =	simm.s32 $0x100;
	s12 =	simm.s32 $0x800;
	[sflag:s9] =	ssyncset.done $0x0  }
.LBB2_7:
0x117: {  	s13 =	sadd.s32 $0x1400, s11  }
0x118: {  	[sflag:s9] =	ssyncadd.s32 $0xFFFFC000;
	s14 =	smov.u32 s12;
	s15 =	sadd.s32 $0x400, s12  }
0x119: {  	[tilespmem:s29], [sflag:$0x1] =	stream.indirect.gather [hbm4b:s1+s0], $0x80, s13, s0, $0xb8;
	[tilespmem:$0x1E800] =	vst v63  }
0x11a: {  	p1 =	sne.s32 s12, $0x4C00;
	_ =	swait.ge [sflag:s3], $0x4000  }
0x11b: {  	[sflag:s3] =	ssyncset.done $0x0  }
0x11c: {  	[sflag:s3] =	ssyncadd.s32 $0xFFFFC000  }
0x11d: {  	[spmem:s2] =	stream.indirect.scatter.add.f32 [tilespmem:s29], [sflag:$0x3], $0x80, s11, s0, $0xb8;
	[tilespmem:$0x1E800] =	vst v63  }
0x11e: {  	s12 =	sadd.s32 $0x1480, s11  }
0x11f: {  	[tilespmem:s6], [sflag:$0x2] =	stream.indirect.gather [hbm4b:s1+s0], $0x80, s12, s0, $0xb8;
	[tilespmem:$0x1E800] =	vst v63  }
0x120: {  	_ =	swait.ge [sflag:s7], $0x4000  }
0x121: {  	[sflag:s7] =	ssyncset.done $0x0  }
0x122: {  	s11 =	sadd.s32 $0x80, s11;
	[sflag:s7] =	ssyncadd.s32 $0xFFFFC000  }
0x123: {  	[spmem:s2] =	stream.indirect.scatter.add.f32 [tilespmem:s6], [sflag:$0x4], $0x80, s11, s0, $0xb8;
	[tilespmem:$0x1E800] =	vst v63  }
.Ltmp7:
0x124: {  	_ =	swait.ge [sflag:s8], $0x4000;
	(pc) =	sbr.rel @p1 .LBB2_7-.Ltmp7, $4  }
0x125: {  	[sflag:s8] =	ssyncset.done $0x0  }
0x126: {  	[sflag:s8] =	ssyncadd.s32 $0xFFFFC000  }
0x127: {  	_ =	swait.ge [sflag:s9], $0x4000  }
0x128: {  	s12 =	smov.u32 s15;
	s11 =	sshra.s32 s14, $0x2;
	[sflag:s9] =	ssyncset.done $0x0  }
0x129: {  	s12 =	sadd.s32 $0x1400, s11;
	[sflag:s9] =	ssyncadd.s32 $0xFFFFC000  }
0x12a: {  	[tilespmem:s29], [sflag:$0x1] =	stream.indirect.gather [hbm4b:s1+s0], $0x80, s12, s0, $0xb8;
	[tilespmem:$0x1E800] =	vst v63  }
0x12b: {  	_ =	swait.ge [sflag:s3], $0x4000  }
0x12c: {  	[sflag:s3] =	ssyncset.done $0x0  }
0x12d: {  	[sflag:s3] =	ssyncadd.s32 $0xFFFFC000  }
0x12e: {  	[spmem:s2] =	stream.indirect.scatter.add.f32 [tilespmem:s29], [sflag:$0x3], $0x80, s11, s0, $0xb8;
	[tilespmem:$0x1E800] =	vst v63  }
0x12f: {  	s15 =	sadd.s32 $0x1480, s11  }
0x130: {  	[tilespmem:s6], [sflag:$0x2] =	stream.indirect.gather [hbm4b:s1+s0], $0x80, s15, s0, $0xb8;
	[tilespmem:$0x1E800] =	vst v63  }
0x131: {  	_ =	swait.ge [sflag:s7], $0x4000  }
0x132: {  	[sflag:s7] =	ssyncset.done $0x0  }
0x133: {  	s12 =	sadd.s32 $0x80, s11;
	[sflag:s7] =	ssyncadd.s32 $0xFFFFC000  }
0x134: {  	[spmem:s2] =	stream.indirect.scatter.add.f32 [tilespmem:s6], [sflag:$0x4], $0x80, s12, s0, $0xb8;
	[tilespmem:$0x1E800] =	vst v63  }
0x135: {  	_ =	swait.ge [sflag:s8], $0x4000  }
0x136: {  	[sflag:s8] =	ssyncset.done $0x0  }
0x137: {  	[sflag:s8] =	ssyncadd.s32 $0xFFFFC000  }
0x138: {  	_ =	swait.ge [sflag:s9], $0x4000  }
0x139: {  	[sflag:s9] =	ssyncset.done $0x0  }
0x13a: {  	s13 =	simm.s32 $0x0;
	s14 =	rddreg [dreg:$0x8];
	[sflag:s9] =	ssyncadd.s32 $0xFFFFC000  }
0x13b: {  	[tilespmem:s13], [sflag:$0x5] =	stream.linear.gather [hbm4b:s14+s13], $0x1400, $0x38;
	[tilespmem:$0x1E800] =	vst v63  }
0x13c: {  	_ =	swait.ge [sflag:s30], $0x1400  }
0x13d: {  	[sflag:s30] =	ssyncset.done $0x0  }
0x13e: {  	s15 =	rddreg [dreg:$0x9];
	[sflag:s30] =	ssyncadd.s32 $0xFFFFEC00  }
0x13f: {  	[tilespmem:s31], [sflag:$0x5] =	stream.linear.gather [hbm4b:s15+s13], $0x1400, $0x38;
	[tilespmem:$0x1E800] =	vst v63  }
0x140: {  	_ =	swait.ge [sflag:s30], $0x1400  }
0x141: {  	[sflag:s30] =	ssyncset.done $0x0  }
0x142: {  	s12 =	simm.s32 $0x1400;
	[sflag:s30] =	ssyncadd.s32 $0xFFFFEC00  }
0x143: {  	[tilespmem:s29], [sflag:$0x1] =	stream.indirect.gather [hbm4b:s1+s0], $0x80, s12, s0, $0xb8;
	[tilespmem:$0x1E800] =	vst v63  }
0x144: {  	_ =	swait.ge [sflag:s3], $0x4000  }
0x145: {  	[sflag:s3] =	ssyncset.done $0x0  }
0x146: {  	s13 =	simm.s32 $0x0;
	[sflag:s3] =	ssyncadd.s32 $0xFFFFC000  }
0x147: {  	[spmem:s2] =	stream.indirect.scatter.add.f32 [tilespmem:s29], [sflag:$0x3], $0x80, s13, s0, $0xb8;
	[tilespmem:$0x1E800] =	vst v63  }
0x148: {  	s14 =	simm.s32 $0x1480  }
0x149: {  	[tilespmem:s6], [sflag:$0x2] =	stream.indirect.gather [hbm4b:s1+s0], $0x80, s14, s0, $0xb8;
	[tilespmem:$0x1E800] =	vst v63  }
0x14a: {  	_ =	swait.ge [sflag:s7], $0x4000  }
0x14b: {  	[sflag:s7] =	ssyncset.done $0x0  }
0x14c: {  	s15 =	simm.s32 $0x80;
	[sflag:s7] =	ssyncadd.s32 $0xFFFFC000  }
0x14d: {  	[spmem:s2] =	stream.indirect.scatter.add.f32 [tilespmem:s6], [sflag:$0x4], $0x80, s15, s0, $0xb8;
	[tilespmem:$0x1E800] =	vst v63  }
0x14e: {  	_ =	swait.ge [sflag:s8], $0x4000  }
0x14f: {  	[sflag:s8] =	ssyncset.done $0x0  }
0x150: {  	[sflag:s8] =	ssyncadd.s32 $0xFFFFC000  }
0x151: {  	_ =	swait.ge [sflag:s9], $0x4000  }
0x152: {  	s11 =	simm.s32 $0x100;
	s12 =	simm.s32 $0x800;
	[sflag:s9] =	ssyncset.done $0x0  }
.LBB2_9:
0x153: {  	s13 =	sadd.s32 $0x1400, s11  }
0x154: {  	[sflag:s9] =	ssyncadd.s32 $0xFFFFC000;
	s14 =	smov.u32 s12;
	s15 =	sadd.s32 $0x400, s12  }
0x155: {  	[tilespmem:s29], [sflag:$0x1] =	stream.indirect.gather [hbm4b:s1+s0], $0x80, s13, s0, $0xb8;
	[tilespmem:$0x1E800] =	vst v63  }
0x156: {  	p1 =	seq.s32 s12, $0x4C00;
	_ =	swait.ge [sflag:s3], $0x4000  }
0x157: {  	[sflag:s3] =	ssyncset.done $0x0  }
0x158: {  	[sflag:s3] =	ssyncadd.s32 $0xFFFFC000  }
0x159: {  	[spmem:s2] =	stream.indirect.scatter.add.f32 [tilespmem:s29], [sflag:$0x3], $0x80, s11, s0, $0xb8;
	[tilespmem:$0x1E800] =	vst v63  }
0x15a: {  	s12 =	sadd.s32 $0x1480, s11  }
0x15b: {  	[tilespmem:s6], [sflag:$0x2] =	stream.indirect.gather [hbm4b:s1+s0], $0x80, s12, s0, $0xb8;
	[tilespmem:$0x1E800] =	vst v63  }
0x15c: {  	_ =	swait.ge [sflag:s7], $0x4000  }
0x15d: {  	[sflag:s7] =	ssyncset.done $0x0  }
0x15e: {  	s11 =	sadd.s32 $0x80, s11;
	[sflag:s7] =	ssyncadd.s32 $0xFFFFC000  }
0x15f: {  	[spmem:s2] =	stream.indirect.scatter.add.f32 [tilespmem:s6], [sflag:$0x4], $0x80, s11, s0, $0xb8;
	[tilespmem:$0x1E800] =	vst v63  }
.Ltmp8:
0x160: {  	_ =	swait.ge [sflag:s8], $0x4000;
	(pc) =	sbr.rel @!p1 .LBB2_9-.Ltmp8, $4  }
0x161: {  	[sflag:s8] =	ssyncset.done $0x0  }
0x162: {  	[sflag:s8] =	ssyncadd.s32 $0xFFFFC000  }
0x163: {  	_ =	swait.ge [sflag:s9], $0x4000  }
0x164: {  	s12 =	smov.u32 s15;
	s11 =	sshra.s32 s14, $0x2;
	[sflag:s9] =	ssyncset.done $0x0  }
.Ltmp9:
0x165: {  	_ = 	snop;
	(pc) =	sbr.rel .LBB2_10-.Ltmp9, $1  }
0x166: {  	_ =	sdelay $0x3  }
.LBB2_15:
0x167: {  	_ =	sfence.sel $0x180000  }
0x168: {  	[bflag:$0x0] =	sbarrier.arrive $0xFFFF  }
0x169: {  	_ =	strace $0x9000004A  }
0x16a: {  	s0 =	stileid.u32;
	[bflag:$0x2] =	sbarrier.arrive $0xFFFF  }
0x16b: {  	p0 =	sne.s32 s0, $0x0;
	s0 =	rddreg [dreg:$0x3]  }
0x16c: {  	s0 =	sadd.s32 @!p0 $0x100000, s0  }
0x16d: {  	[sflag:s0] =	ssyncadd.tile.s32 @!p0 $0x1;
	_ =	shalt  }
.Lfunc_end2:
_tile_overlayer_lowered:
.L_overlay_start_2:
0x16e: {  	(tag) =	ssettag $0x2  }
0x16f: {  	s0 =	rddreg [dreg:$0x0];
	s2 =	stileid.u32  }
0x170: {  	s1 =	rddreg [dreg:$0x1];
	p0 =	sne.s32 s2, $0x0  }
0x171: {  	s3 =	rddreg [dreg:$0x2];
	[bflag:$0x3] =	sbarrier.arrive $0xFFFF;
	s2 =	simm.s32 @!p0 $0x1C05  }
0x172: {  	[timem:s3], [sflag:s2] =	dma.local @!p0 [hbm:s0], s1  }
0x173: {  	s0 =	simm.s32 @!p0 $0x5  }
0x174: {  	_ =	swait.ge @!p0 [sflag:s0], s1  }
0x175: {  	s1 =	ssub.s32 @!p0 $0x0, s1;
	[sflag:s0] =	ssyncset.done @!p0 $0x0  }
0x176: {  	[sflag:s0] =	ssyncadd.s32 @!p0 s1  }
0x177: {  	[bflag:$0x3] =	sbarrier.arrive $0xFFFF  }
0x178: {  	_ =	shalt  }

// kernel: kernel.8.cloned.1.call-start
scs
__scs_entry_jumppad:
0x0: {  	(pc) =	sbr.rel $0x88, $3  }
0x1: {  	(tag) =	ssettag $0x0;
	lr =	simm.s32 $0x1  }
0x2: {  	[smem:$0x3F9B] =	sst lr;
	_ =	strace $0xD0000000  }
0x3: {  	_ = 	snop  }
0x4: {  	_ = 	snop  }
0x5: {  	_ = 	snop  }
0x6: {  	_ = 	snop  }
0x7: {  	_ = 	snop  }
__scs_overlays_trampoline_lowered:
0x8: {  	[smem:$0x3FAA] =	sst s0  }
0x9: {  	[smem:$0x3FAB] =	sst s1  }
0xa: {  	[smem:$0x3FAC] =	sst s2  }
0xb: {  	[smem:$0x3FAD] =	sst s3  }
0xc: {  	[smem:$0x3FAE] =	sst s4  }
0xd: {  	[smem:$0x3FAF] =	sst s5  }
0xe: {  	[smem:$0x3FB0] =	sst s6  }
0xf: {  	[smem:$0x3FB1] =	sst s7  }
0x10: {  	[smem:$0x3FB2] =	sst s8  }
0x11: {  	[smem:$0x3FB3] =	sst s9;
	s0 =	simm.s32 @!p0 $0x0  }
0x12: {  	s1 =	sld [smem:$0x3F99];
	s0 =	simm.s32 @p0 $0x1  }
0x13: {  	[smem:$0x3FB4] =	sst s0;
	s0 =	simm.s32 @!p1 $0x0  }
0x14: {  	s2 =	sld [smem:$0x3F98];
	s0 =	simm.s32 @p1 $0x1  }
0x15: {  	[smem:$0x3FB5] =	sst s0;
	s0 =	simm.s32 @!p2 $0x0  }
0x16: {  	s3 =	sld [smem:$0x3FDB];
	s0 =	simm.s32 @p2 $0x1  }
0x17: {  	s4 =	simm.s32 $0x1BF5;
	[smem:$0x3FB7] =	sst s0  }
0x18: {  	s0 =	sld [smem:$0x3F9A];
	_ =	swait.ge [sflag:s4], $0x0  }
0x19: {  	s7 =	sld [smem:$0x3F9B]  }
0x1a: {  	s8 =	sadd.s32 $0xFFFFE003, lr  }
0x1b: {  	s9 =	sadd.s32 $0xFFFFFEF7, lr;
	s5 =	simm.s32 $0xFFFFFFFF;
	p2 =	slt.u32 s8, $0xFFFFF086  }
0x1c: {  	p1 =	slt.u32 s9, $0xF7A;
	s5 =	simm.s32 @!p2 $0x0  }
0x1d: {  	s5 =	simm.s32 @p1 $0x1;
	p0 =	seq.s32 s7, s2  }
0x1e: {  	s7 =	smul.u32 @!p0 $0xF7A, s2;
	p2 =	seq.s32 @!p0 s5, $0x0  }
0x1f: {  	s9 =	smul.u32 $0xF7A, s1;
	s8 =	simm.s32 @!p0 $0x1BF5;
	p2 =	por !p2, p0  }
0x20: {  	[sflag:s8] =	ssyncset.s32 @!p0 $0xFFFFF086;
	s6 =	sadd.s32 @!p0 s3, s7;
	s7 =	simm.s32 @!p0 $0x108  }
0x21: {  	s3 =	sadd.s32 s3, s9;
	s6 =	sadd.s32 @!p0 $0x88, s6;
	s7 =	simm.s32 @p2 $0x1082  }
0x22: {  	[simem:s7], [sflag:s8] =	dma.local @!p0 [hbm:s6], $0xF7A  }
0x23: {  	s9 =	sor.u32 $0xD0000000, s2;
	s6 =	simm.s32 $0x108;
	_ =	swait.ge @!p0 [sflag:s8], $0x0  }
0x24: {  	s3 =	sadd.s32 $0x88, s3;
	s6 =	simm.s32 @!p1 $0x1082;
	[sflag:s4] =	ssyncset.s32 $0xFFFFF086  }
0x25: {  	[simem:s6], [sflag:s4] =	dma.local [hbm:s3], $0xF7A  }
0x26: {  	[smem:$0x3F9B] =	sst s1;
	(tag) =	ssettag s2;
	_ =	strace s9  }
0x27: {  	s1 =	sld [smem:$0x3FAB]  }
0x28: {  	s2 =	sld [smem:$0x3FAC]  }
0x29: {  	s4 =	sld [smem:$0x3FAE]  }
0x2a: {  	p0 =	seq.s32 s5, $0x0;
	s5 =	sld [smem:$0x3FAF]  }
0x2b: {  	s6 =	sld [smem:$0x3FB0]  }
0x2c: {  	s7 =	sld [smem:$0x3FB1]  }
0x2d: {  	s3 =	simm.s32 $0x108;
	s8 =	sld [smem:$0x3FB2]  }
0x2e: {  	s3 =	simm.s32 @!p0 $0x1082;
	s9 =	sld [smem:$0x3FB3]  }
0x2f: {  	lr =	sadd.s32 s0, s3;
	s0 =	sld [smem:$0x3FAA]  }
0x30: {  	s3 =	sld [smem:$0x3FAD]  }
0x31: {  	[smem:$0x3FB6] =	sst s10  }
0x32: {  	s10 =	sld [smem:$0x3FB4];
	_ =	sdelay $0x3  }
0x33: {  	p0 =	seq.s32 s10, $0x1;
	s10 =	sld [smem:$0x3FB6];
	_ =	sdelay $0x3  }
0x34: {  	[smem:$0x3FB6] =	sst s10  }
0x35: {  	s10 =	sld [smem:$0x3FB5];
	_ =	sdelay $0x3  }
0x36: {  	p1 =	seq.s32 s10, $0x1;
	s10 =	sld [smem:$0x3FB6];
	_ =	sdelay $0x3  }
0x37: {  	[smem:$0x3FB6] =	sst s10  }
0x38: {  	s10 =	sld [smem:$0x3FB7]  }
0x39: {  	_ = 	snop;
	(pc) =	sbr.ind lr, $3  }
0x3a: {  	_ = 	snop  }
0x3b: {  	_ = 	snop  }
0x3c: {  	p2 =	seq.s32 s10, $0x1;
	s10 =	sld [smem:$0x3FB6]  }
0x3d: {  	_ =	shalt  }
0x3e: {  	_ =	shalt  }
0x3f: {  	_ =	shalt  }
0x40: {  	_ =	shalt  }
0x41: {  	_ =	shalt  }
0x42: {  	_ =	shalt  }
0x43: {  	_ =	shalt  }
0x44: {  	_ =	shalt  }
0x45: {  	_ =	shalt  }
0x46: {  	_ =	shalt  }
0x47: {  	_ =	shalt  }
0x48: {  	_ =	shalt  }
0x49: {  	_ =	shalt  }
0x4a: {  	_ =	shalt  }
0x4b: {  	_ =	shalt  }
0x4c: {  	_ =	shalt  }
0x4d: {  	_ =	shalt  }
0x4e: {  	_ =	shalt  }
0x4f: {  	_ =	shalt  }
0x50: {  	_ =	shalt  }
0x51: {  	_ =	shalt  }
0x52: {  	_ =	shalt  }
0x53: {  	_ =	shalt  }
0x54: {  	_ =	shalt  }
0x55: {  	_ =	shalt  }
0x56: {  	_ =	shalt  }
0x57: {  	_ =	shalt  }
0x58: {  	_ =	shalt  }
0x59: {  	_ =	shalt  }
0x5a: {  	_ =	shalt  }
0x5b: {  	_ =	shalt  }
0x5c: {  	_ =	shalt  }
0x5d: {  	_ =	shalt  }
0x5e: {  	_ =	shalt  }
0x5f: {  	_ =	shalt  }
0x60: {  	_ =	shalt  }
0x61: {  	_ =	shalt  }
0x62: {  	_ =	shalt  }
0x63: {  	_ =	shalt  }
0x64: {  	_ =	shalt  }
0x65: {  	_ =	shalt  }
0x66: {  	_ =	shalt  }
0x67: {  	_ =	shalt  }
0x68: {  	_ =	shalt  }
0x69: {  	_ =	shalt  }
0x6a: {  	_ =	shalt  }
0x6b: {  	_ =	shalt  }
0x6c: {  	_ =	shalt  }
0x6d: {  	_ =	shalt  }
0x6e: {  	_ =	shalt  }
0x6f: {  	_ =	shalt  }
0x70: {  	_ =	shalt  }
0x71: {  	_ =	shalt  }
0x72: {  	_ =	shalt  }
0x73: {  	_ =	shalt  }
0x74: {  	_ =	shalt  }
0x75: {  	_ =	shalt  }
0x76: {  	_ =	shalt  }
0x77: {  	_ =	shalt  }
0x78: {  	_ =	shalt  }
0x79: {  	_ =	shalt  }
0x7a: {  	_ =	shalt  }
0x7b: {  	_ =	shalt  }
0x7c: {  	_ =	shalt  }
0x7d: {  	_ =	shalt  }
0x7e: {  	_ =	shalt  }
0x7f: {  	_ =	shalt  }
0x80: {  	_ =	shalt  }
0x81: {  	_ =	shalt  }
0x82: {  	_ =	shalt  }
0x83: {  	_ =	shalt  }
0x84: {  	_ =	shalt  }
0x85: {  	_ =	shalt  }
0x86: {  	_ =	shalt  }
0x87: {  	_ =	shalt  }
.Lfunc_end0:
.L_simem_size_0:
called_computation_lowered:
.L_overlay_start_0:
0x88: {  	s2 =	sld [smem:$0x3FD9]  }
0x89: {  	s3 =	sld [smem:$0x3FFE];
	_ =	sdelay $0x1  }
0x8a: {  	s1 =	srdreg.scid  }
0x8b: {  	s0 =	sand.u32 $0x1, s1  }
0x8c: {  	s17 =	sshll.u32 s0, $0xA;
	s2 =	sadd.s32 s3, s2  }
0x8d: {  	s2 =	sadd.s32 s2, s17  }
0x8e: {  	[smem:$0x3FC2] =	sst s2  }
0x8f: {  	_ = 	snop  }
0x90: {  	s2 =	sld [smem:$0x3FD0];
	(tm) =	ssettm $0x1  }
0x91: {  	s18 =	sld [smem:$0x3FFB];
	_ =	sdelay $0x3  }
0x92: {  	_ =	strace s18  }
0x93: {  	s3 =	sld [smem:$0x3FFC];
	_ =	sdelay $0x3  }
0x94: {  	_ =	strace s3  }
0x95: {  	s3 =	sld [smem:$0x3FFD];
	_ =	sdelay $0x3  }
0x96: {  	_ =	strace s3  }
0x97: {  	_ =	strace $0x8FFFFFFF  }
0x98: {  	s19 =	sld [smem:$0x3FDB];
	_ =	sdelay $0x1  }
0x99: {  	s4 =	simm.s32 $_scs_section_size  }
0x9a: {  	s5 =	simm.s32 $_size__tile_overlayer_lowered;
	s6 =	simm.s32 $_tile_overlayer_lowered  }
0x9b: {  	s22 =	simm.s32 $0x1BFF;
	s21 =	sshll.u32 s6, $0x1;
	s3 =	sadd.s32 s4, s19  }
0x9c: {  	s7 =	simm.s32 $0x0;
	s20 =	sshll.u32 s5, $0x1;
	s5 =	sadd.s32 s21, s3  }
0x9d: {  	[timem:s7], [sflag:s22] =	dma.local [hbm:s5], s20  }
0x9e: {  	_ =	swait.ge [sflag:s22], s20  }
0x9f: {  	s4 =	ssub.s32 $0x0, s20;
	[sflag:s22] =	ssyncset.done $0x0  }
0xa0: {  	[sflag:s22] =	ssyncadd.s32 s4;
	_ =	sdelay $0x1  }
0xa1: {  	s23 =	simm.s32 $0x1B8B  }
0xa2: {  	_ =	swait.ge [sflag:s23], $0x1  }
0xa3: {  	[sflag:s23] =	ssyncset.done $0x0  }
0xa4: {  	s25 =	simm.s32 $0x1B8E;
	s24 =	sld [smem:$0x3FFE];
	[sflag:s23] =	ssyncadd.s32 $0xFFFFFFFF  }
0xa5: {  	s26 =	simm.s32 $execute0_lowered;
	[smem:$0x3FD2] =	sst s25  }
0xa6: {  	s5 =	sshll.u32 s26, $0x1;
	_ =	strace $0x80000046;
	[dreg:$0x1] =	wrdreg $0xFFFFFFFF  }
0xa7: {  	s28 =	simm.s32 $_size_execute0_lowered;
	s3 =	sadd.s32 s3, s5;
	[dreg:$0x0] =	wrdreg $0x0  }
0xa8: {  	s5 =	sshll.u32 s28, $0x1;
	[dreg:$0x2] =	wrdreg s3  }
0xa9: {  	[dreg:$0x3] =	wrdreg s5  }
0xaa: {  	[dreg:$0x4] =	wrdreg $0xC0  }
0xab: {  	_ =	task [dreg:s7], $0x5FFFF  }
0xac: {  	[dreg:$0x1] =	wrdreg $0xFFFFFFFF  }
0xad: {  	[dreg:$0x0] =	wrdreg $0x60  }
0xae: {  	[dreg:$0x2] =	wrdreg s2  }
0xaf: {  	[dreg:$0x3] =	wrdreg s24  }
0xb0: {  	[dreg:$0x4] =	wrdreg $0x2B000  }
0xb1: {  	[dreg:$0x5] =	wrdreg $0x9  }
0xb2: {  	_ =	task.clear_ibuf [dreg:s7], $0x6FFFF;
	_ =	strace $0x90000046  }
0xb3: {  	s29 =	simm.s32 $0x9;
	_ =	strace $0x80000048  }
0xb4: {  	_ =	swait.ge [sflag:s29], $0x1  }
0xb5: {  	[sflag:s29] =	ssyncadd.s32 $0xFFFFFFFF  }
0xb6: {  	_ =	strace $0x90000048  }
0xb7: {  	_ =	sfence  }
0xb8: {  	s30 =	sld [smem:$0x0];
	_ =	sdelay $0x2  }
0xb9: {  	s31 =	sshll.u32 s1, $0xD;
	s1 =	sshrl.u32 s1, $0x2  }
0xba: {  	s3 =	sand.u32 $0x4000, s31;
	s1 =	sadd.s32 s1, s30  }
0xbb: {  	s0 =	sor.u32 s3, s0;
	s1 =	sshll.u32 s1, $0x11  }
0xbc: {  	s0 =	sor.u32 s1, s0  }
0xbd: {  	s0 =	sadd.s32 $0x8F2B, s0  }
0xbe: {  	[sflag:s0] =	ssyncadd.remote.s32 $0x1  }
0xbf: {  	_ =	sfence.sel $0xFFFF  }
0xc0: {  	[dreg:$0x0] =	wrdreg $0xFFFFFFFF;
	(pc) =	sbr.abs _section_cstart, $3  }
0xc1: {  	[dreg:$0x1] =	wrdreg $0xFFFFFFFF  }
0xc2: {  	_ =	task.clear_ibuf [dreg:s7], $0x2FFFF;
	_ =	strace $0x9FFFFFFF  }
0xc3: {  	(tm) =	ssettm $0x7FFFFFFF  }
tec
execute0_lowered:
.L_overlay_start_1:
0x0: {  	(tag) =	ssettag $0x1  }
0x1: {  	s4 =	rddreg [dreg:$0x0]  }
0x2: {  	s1 =	srdreg.scid;
	s5 =	rddreg [dreg:$0x1]  }
0x3: {  	s0 =	stileid.u32;
	s2 =	rddreg [dreg:$0x2]  }
0x4: {  	s3 =	simm.s32 $0x0;
	s11 =	simm.s32 $0x2800;
	s12 =	simm.s32 $0x1  }
0x5: {  	s13 =	simm.s32 $0x2;
	s14 =	simm.s32 $0x3;
	s15 =	simm.s32 $0x4  }
0x6: {  	s16 =	simm.s32 $0x5;
	s17 =	simm.s32 $0x0;
	s6 =	sand.u32 $0x1, s1  }
0x7: {  	s7 =	smul.u32 $0x280, s0;
	s1 =	rddreg [dreg:$0x3];
	s9 =	sshll.u32 s0, $0x1  }
0x8: {  	s8 =	smul.u32 $0x2800, s6;
	s9 =	sor.u32 s6, s9;
	s6 =	ssub.s32 $0x2, s6  }
0x9: {  	[smem:$0x7FF] =	sst s3;
	s9 =	smul.u32 $0x500, s9;
	s31 =	sshrl.u32 s6, $0x1  }
0xa: {  	_ =	strace $0x80000047;
	s8 =	sadd.s32 s7, s8;
	s10 =	ssub.s32 s6, s31  }
0xb: {  	s8 =	sshrl.u32 s8, $0x3;
	s4 =	sadd.s32 s4, s9;
	s9 =	simm.s32 $0x2880  }
0xc: {  	s8 =	sadd.s32 s8, s5;
	s5 =	sadd.s32 s7, s2;
	s7 =	smax.u32 s10, $0x1  }
0xd: {  	v0 =	vimm.f32 $1.000000000e+00;
	v1 =	vimm.f32 $0.0e+00;
	s10 =	simm.s32 $0x80;
	s6 =	sadd.s32 $0x1600, s8;
	s8 =	simm.s32 $0x6  }
.LBB2_1:
0xe: {  	[tilespmem:s3], [sflag:$0x6] =	stream.linear.gather [hbm4b:s4+s3], $0x2800, $0x38;
	[tilespmem:$0x2D80] =	vst v63  }
0xf: {  	_ =	swait.ge [sflag:s8], $0x2800  }
0x10: {  	[sflag:s8] =	ssyncset.done $0x0  }
0x11: {  	[sflag:s8] =	ssyncadd.s32 $0xFFFFD800  }
0x12: {  	[tilespmem:$0x2800] =	vst v0  }
0x13: {  	[tilespmem:$0x2810] =	vst v0  }
0x14: {  	[tilespmem:$0x2820] =	vst v0  }
0x15: {  	[tilespmem:$0x2830] =	vst v0  }
0x16: {  	[tilespmem:$0x2840] =	vst v0  }
0x17: {  	[tilespmem:$0x2850] =	vst v0  }
0x18: {  	[tilespmem:$0x2860] =	vst v0  }
0x19: {  	[tilespmem:$0x2870] =	vst v0  }
0x1a: {  	[tilespmem:$0x2880] =	vst v1  }
0x1b: {  	[tilespmem:$0x2890] =	vst v1  }
0x1c: {  	[tilespmem:$0x28A0] =	vst v1  }
0x1d: {  	[tilespmem:$0x28B0] =	vst v1  }
0x1e: {  	[tilespmem:$0x28C0] =	vst v1  }
0x1f: {  	[tilespmem:$0x28D0] =	vst v1  }
0x20: {  	[tilespmem:$0x28E0] =	vst v1  }
0x21: {  	[tilespmem:$0x28F0] =	vst v1  }
0x22: {  	[tilespmem:$0x2900] =	vst v1  }
0x23: {  	[tilespmem:$0x2910] =	vst v1  }
0x24: {  	[tilespmem:$0x2920] =	vst v1  }
0x25: {  	[tilespmem:$0x2930] =	vst v1  }
0x26: {  	[tilespmem:$0x2940] =	vst v1  }
0x27: {  	[tilespmem:$0x2950] =	vst v1  }
0x28: {  	[tilespmem:$0x2960] =	vst v1  }
0x29: {  	[tilespmem:$0x2970] =	vst v1  }
0x2a: {  	[tilespmem:$0x2980] =	vst v1  }
0x2b: {  	[tilespmem:$0x2990] =	vst v1  }
0x2c: {  	[tilespmem:$0x29A0] =	vst v1  }
0x2d: {  	[tilespmem:$0x29B0] =	vst v1  }
0x2e: {  	[tilespmem:$0x29C0] =	vst v1  }
0x2f: {  	[tilespmem:$0x29D0] =	vst v1  }
0x30: {  	[tilespmem:$0x29E0] =	vst v1  }
0x31: {  	[tilespmem:$0x29F0] =	vst v1  }
0x32: {  	[tilespmem:$0x2A00] =	vst v1  }
0x33: {  	[tilespmem:$0x2A10] =	vst v1  }
0x34: {  	[tilespmem:$0x2A20] =	vst v1  }
0x35: {  	[tilespmem:$0x2A30] =	vst v1  }
0x36: {  	[tilespmem:$0x2A40] =	vst v1  }
0x37: {  	[tilespmem:$0x2A50] =	vst v1  }
0x38: {  	[tilespmem:$0x2A60] =	vst v1  }
0x39: {  	[tilespmem:$0x2A70] =	vst v1  }
0x3a: {  	[tilespmem:$0x2A80] =	vst v1  }
0x3b: {  	[tilespmem:$0x2A90] =	vst v1  }
0x3c: {  	[tilespmem:$0x2AA0] =	vst v1  }
0x3d: {  	[tilespmem:$0x2AB0] =	vst v1  }
0x3e: {  	[tilespmem:$0x2AC0] =	vst v1  }
0x3f: {  	[tilespmem:$0x2AD0] =	vst v1  }
0x40: {  	[tilespmem:$0x2AE0] =	vst v1  }
0x41: {  	[tilespmem:$0x2AF0] =	vst v1  }
0x42: {  	[spmem:s5] =	stream.linear.scatter [tilespmem:s9], [sflag:$0x6], $0x280, $0x38;
	[tilespmem:$0x2D80] =	vst v63  }
0x43: {  	_ =	swait.ge [sflag:s8], $0x280  }
0x44: {  	[sflag:s8] =	ssyncset.done $0x0  }
0x45: {  	[sflag:s8] =	ssyncadd.s32 $0xFFFFFD80  }
0x46: {  	s18 =	simm.s32 $0x0;
	[bflag:$0x0] =	sbarrier.arrive $0xFFFF  }
0x47: {  	[spmem:s2] =	stream.indirect.scatter.add.f32 [tilespmem:s11], [sflag:$0x1], $0x1, s18, s10, $0xb8;
	[tilespmem:$0x2D80] =	vst v63  }
0x48: {  	s28 =	simm.s32 $0x80  }
0x49: {  	[spmem:s2] =	stream.indirect.scatter.add.f32 [tilespmem:s11], [sflag:$0x2], $0x1, s28, s10, $0xb8;
	[tilespmem:$0x2D80] =	vst v63  }
0x4a: {  	s29 =	simm.s32 $0x100  }
0x4b: {  	[spmem:s2] =	stream.indirect.scatter.add.f32 [tilespmem:s11], [sflag:$0x3], $0x1, s29, s10, $0xb8;
	[tilespmem:$0x2D80] =	vst v63  }
0x4c: {  	s30 =	simm.s32 $0x180  }
0x4d: {  	[spmem:s2] =	stream.indirect.scatter.add.f32 [tilespmem:s11], [sflag:$0x4], $0x1, s30, s10, $0xb8;
	[tilespmem:$0x2D80] =	vst v63  }
0x4e: {  	s31 =	simm.s32 $0x200  }
0x4f: {  	[spmem:s2] =	stream.indirect.scatter.add.f32 [tilespmem:s11], [sflag:$0x5], $0x1, s31, s10, $0xb8;
	[tilespmem:$0x2D80] =	vst v63  }
0x50: {  	_ =	swait.ge [sflag:s12], $0x80  }
0x51: {  	[sflag:s12] =	ssyncset.done $0x0  }
0x52: {  	[sflag:s12] =	ssyncadd.s32 $0xFFFFFF80  }
0x53: {  	_ =	swait.ge [sflag:s13], $0x80  }
0x54: {  	[sflag:s13] =	ssyncset.done $0x0  }
0x55: {  	[sflag:s13] =	ssyncadd.s32 $0xFFFFFF80  }
0x56: {  	_ =	swait.ge [sflag:s14], $0x80  }
0x57: {  	[sflag:s14] =	ssyncset.done $0x0  }
0x58: {  	[sflag:s14] =	ssyncadd.s32 $0xFFFFFF80  }
0x59: {  	_ =	swait.ge [sflag:s15], $0x80  }
0x5a: {  	[sflag:s15] =	ssyncset.done $0x0  }
0x5b: {  	[sflag:s15] =	ssyncadd.s32 $0xFFFFFF80  }
0x5c: {  	_ =	swait.ge [sflag:s16], $0x80  }
0x5d: {  	s19 =	simm.s32 $0x1400;
	s18 =	simm.s32 $0xA00;
	[sflag:s16] =	ssyncset.done $0x0  }
.LBB2_2:
0x5e: {  	s20 =	sshra.s32 s18, $0x2  }
0x5f: {  	[sflag:s16] =	ssyncadd.s32 $0xFFFFFF80;
	s18 =	smov.u32 s19;
	s21 =	sadd.s32 $0xA00, s19  }
0x60: {  	[spmem:s2] =	stream.indirect.scatter.add.f32 [tilespmem:s11], [sflag:$0x1], $0x1, s20, s10, $0xb8;
	[tilespmem:$0x2D80] =	vst v63  }
0x61: {  	p0 =	sne.s32 s19, $0x9600;
	s19 =	sadd.s32 $0x80, s20  }
0x62: {  	[spmem:s2] =	stream.indirect.scatter.add.f32 [tilespmem:s11], [sflag:$0x2], $0x1, s19, s10, $0xb8;
	[tilespmem:$0x2D80] =	vst v63  }
0x63: {  	s19 =	sadd.s32 $0x100, s20  }
0x64: {  	[spmem:s2] =	stream.indirect.scatter.add.f32 [tilespmem:s11], [sflag:$0x3], $0x1, s19, s10, $0xb8;
	[tilespmem:$0x2D80] =	vst v63  }
0x65: {  	s19 =	sadd.s32 $0x180, s20  }
0x66: {  	[spmem:s2] =	stream.indirect.scatter.add.f32 [tilespmem:s11], [sflag:$0x4], $0x1, s19, s10, $0xb8;
	[tilespmem:$0x2D80] =	vst v63  }
0x67: {  	s19 =	sadd.s32 $0x200, s20  }
0x68: {  	[spmem:s2] =	stream.indirect.scatter.add.f32 [tilespmem:s11], [sflag:$0x5], $0x1, s19, s10, $0xb8;
	[tilespmem:$0x2D80] =	vst v63  }
0x69: {  	_ =	swait.ge [sflag:s12], $0x80  }
0x6a: {  	[sflag:s12] =	ssyncset.done $0x0  }
0x6b: {  	[sflag:s12] =	ssyncadd.s32 $0xFFFFFF80  }
0x6c: {  	_ =	swait.ge [sflag:s13], $0x80  }
0x6d: {  	[sflag:s13] =	ssyncset.done $0x0  }
0x6e: {  	[sflag:s13] =	ssyncadd.s32 $0xFFFFFF80  }
0x6f: {  	_ =	swait.ge [sflag:s14], $0x80  }
0x70: {  	[sflag:s14] =	ssyncset.done $0x0  }
0x71: {  	[sflag:s14] =	ssyncadd.s32 $0xFFFFFF80  }
.Ltmp0:
0x72: {  	_ =	swait.ge [sflag:s15], $0x80;
	(pc) =	sbr.rel @p0 .LBB2_2-.Ltmp0, $4  }
0x73: {  	[sflag:s15] =	ssyncset.done $0x0  }
0x74: {  	[sflag:s15] =	ssyncadd.s32 $0xFFFFFF80  }
0x75: {  	_ =	swait.ge [sflag:s16], $0x80  }
0x76: {  	s19 =	smov.u32 s21;
	[sflag:s16] =	ssyncset.done $0x0  }
0x77: {  	s18 =	sshra.s32 s18, $0x2;
	[sflag:s16] =	ssyncadd.s32 $0xFFFFFF80  }
0x78: {  	[spmem:s2] =	stream.indirect.scatter.add.f32 [tilespmem:s11], [sflag:$0x1], $0x1, s18, s10, $0xb8;
	[tilespmem:$0x2D80] =	vst v63  }
0x79: {  	s19 =	sadd.s32 $0x80, s18  }
0x7a: {  	[spmem:s2] =	stream.indirect.scatter.add.f32 [tilespmem:s11], [sflag:$0x2], $0x1, s19, s10, $0xb8;
	[tilespmem:$0x2D80] =	vst v63  }
0x7b: {  	s30 =	sadd.s32 $0x100, s18  }
0x7c: {  	[spmem:s2] =	stream.indirect.scatter.add.f32 [tilespmem:s11], [sflag:$0x3], $0x1, s30, s10, $0xb8;
	[tilespmem:$0x2D80] =	vst v63  }
0x7d: {  	s31 =	sadd.s32 $0x180, s18  }
0x7e: {  	[spmem:s2] =	stream.indirect.scatter.add.f32 [tilespmem:s11], [sflag:$0x4], $0x1, s31, s10, $0xb8;
	[tilespmem:$0x2D80] =	vst v63  }
0x7f: {  	s18 =	sadd.s32 $0x200, s18  }
0x80: {  	[spmem:s2] =	stream.indirect.scatter.add.f32 [tilespmem:s11], [sflag:$0x5], $0x1, s18, s10, $0xb8;
	[tilespmem:$0x2D80] =	vst v63  }
0x81: {  	_ =	swait.ge [sflag:s12], $0x80  }
0x82: {  	[sflag:s12] =	ssyncset.done $0x0  }
0x83: {  	[sflag:s12] =	ssyncadd.s32 $0xFFFFFF80  }
0x84: {  	_ =	swait.ge [sflag:s13], $0x80  }
0x85: {  	[sflag:s13] =	ssyncset.done $0x0  }
0x86: {  	[sflag:s13] =	ssyncadd.s32 $0xFFFFFF80  }
0x87: {  	_ =	swait.ge [sflag:s14], $0x80  }
0x88: {  	[sflag:s14] =	ssyncset.done $0x0  }
0x89: {  	[sflag:s14] =	ssyncadd.s32 $0xFFFFFF80  }
0x8a: {  	_ =	swait.ge [sflag:s15], $0x80  }
0x8b: {  	[sflag:s15] =	ssyncset.done $0x0  }
0x8c: {  	[sflag:s15] =	ssyncadd.s32 $0xFFFFFF80  }
0x8d: {  	_ =	swait.ge [sflag:s16], $0x80  }
0x8e: {  	[sflag:s16] =	ssyncset.done $0x0  }
0x8f: {  	[sflag:s16] =	ssyncadd.s32 $0xFFFFFF80  }
0x90: {  	[bflag:$0x0] =	sbarrier.arrive $0xFFFF  }
0x91: {  	[tilespmem:s9], [sflag:$0x6] =	stream.linear.gather [spmem:s5], $0x280, $0x38;
	[tilespmem:$0x2D80] =	vst v63  }
0x92: {  	s17 =	sadd.s32 $0x1, s17;
	_ =	swait.ge [sflag:s8], $0x280  }
0x93: {  	p0 =	sne.s32 s17, s7;
	[sflag:s8] =	ssyncset.done $0x0  }
.Ltmp1:
0x94: {  	[sflag:s8] =	ssyncadd.s32 $0xFFFFFD80;
	(pc) =	sbr.rel @p0 .LBB2_1-.Ltmp1, $4  }
0x95: {  	[hbm4b:s6+s3] =	stream.linear.scatter [tilespmem:s9], [sflag:$0x6], $0x280, $0x38;
	[tilespmem:$0x2D80] =	vst v63  }
0x96: {  	_ =	swait.ge [sflag:s8], $0x280  }
0x97: {  	[sflag:s8] =	ssyncset.done $0x0  }
0x98: {  	[sflag:s8] =	ssyncadd.s32 $0xFFFFFD80  }
0x99: {  	_ =	sfence.sel $0x180000  }
0x9a: {  	[bflag:$0x0] =	sbarrier.arrive $0xFFFF  }
0x9b: {  	p0 =	sne.s32 s0, $0x0;
	_ =	strace $0x90000047  }
0x9c: {  	s0 =	sadd.s32 @!p0 $0x100000, s1;
	[bflag:$0x2] =	sbarrier.arrive $0xFFFF  }
0x9d: {  	[sflag:s0] =	ssyncadd.tile.s32 @!p0 $0x1;
	_ =	shalt  }
.Lfunc_end2:
_tile_overlayer_lowered:
.L_overlay_start_2:
0x9e: {  	(tag) =	ssettag $0x2  }
0x9f: {  	s0 =	rddreg [dreg:$0x0];
	s2 =	stileid.u32  }
0xa0: {  	s1 =	rddreg [dreg:$0x1];
	p0 =	sne.s32 s2, $0x0  }
0xa1: {  	s3 =	rddreg [dreg:$0x2];
	[bflag:$0x3] =	sbarrier.arrive $0xFFFF;
	s2 =	simm.s32 @!p0 $0x1C06  }
0xa2: {  	[timem:s3], [sflag:s2] =	dma.local @!p0 [hbm:s0], s1  }
0xa3: {  	s0 =	simm.s32 @!p0 $0x6  }
0xa4: {  	_ =	swait.ge @!p0 [sflag:s0], s1  }
0xa5: {  	s1 =	ssub.s32 @!p0 $0x0, s1;
	[sflag:s0] =	ssyncset.done @!p0 $0x0  }
0xa6: {  	[sflag:s0] =	ssyncadd.s32 @!p0 s1  }
0xa7: {  	[bflag:$0x3] =	sbarrier.arrive $0xFFFF  }
0xa8: {  	_ =	shalt  }

</sc_bundles>
